<compile_context>
chip_gen: v7x
topology: tpu7x:2x2x1
jax: 0.10.2.dev20260603
libtpu: 0.0.44.dev20260713+nightly
codegen_flags: <defaults>
</compile_context>

<pallas_src>
import functools

import jax
import jax.numpy as jnp
from jax import lax
from jax.experimental import pallas as pl
from jax.experimental.pallas import tpu as pltpu
from jax.experimental.pallas import tpu_sc as plsc

VOCAB = 100000
D = 128
B = 16384
NNEG = 20

NC = 2
NS = 16
NW = NC * NS
SUB = 128
CH = 256
SPB = CH // SUB

BPW = B // NW

TR = BPW // SUB


def _tc_body(t2, c2, in_emb, out_emb, t_out, c_out,
             idx_v, buf0, buf1, gsem, wsem0, wsem1):
    wid = lax.axis_index("s") * NC + lax.axis_index("c")

    pltpu.sync_copy(t2.at[pl.ds(wid * TR, TR)], idx_v.at[pl.ds(0, TR)])
    pltpu.sync_copy(c2.at[pl.ds(wid * TR, TR)], idx_v.at[pl.ds(TR, TR)])

    def drain_gathers(buf):
        pltpu.make_async_copy(t_out.at[pl.ds(0, CH)], buf, gsem).wait()

    def wait_write(wsem, buf):
        pltpu.make_async_copy(buf, t_out.at[pl.ds(0, CH)], wsem).wait()

    bufs = (buf0, buf1)
    sems = (wsem0, wsem1)
    tc_jobs = [(in_emb, t_out, 0), (in_emb, t_out, 1),
               (out_emb, c_out, 0), (out_emb, c_out, 1)]
    for n, (table, out_hbm, sub) in enumerate(tc_jobs):
        buf, sem = bufs[n % 2], sems[n % 2]
        if n >= 2:
            wait_write(sem, buf)
        for j in range(SPB):
            pltpu.async_copy(table.at[idx_v.at[(n // 2) * TR + sub * SPB + j]],
                             buf.at[pl.ds(j * SUB, SUB)], gsem)
        drain_gathers(buf)
        pltpu.async_copy(buf, out_hbm.at[pl.ds(wid * BPW + sub * CH, CH)],
                         sem)

    wait_write(wsem0, buf0)
    wait_write(wsem1, buf1)


def _noise_body(nT, out_emb, n_out3,
                idxn, buf0, buf1, gsem, wsem0, wsem1):
    wid = lax.axis_index("s") * NC + lax.axis_index("c")

    pltpu.sync_copy(nT.at[:, pl.ds(wid * BPW, BPW)], idxn)

    def fire_noise(buf, k, h):
        for j in range(SPB):
            pltpu.async_copy(
                out_emb.at[idxn.at[k, pl.ds(h * CH + j * SUB, SUB)]],
                buf.at[pl.ds(j * SUB, SUB)], gsem)

    def drain_gathers(buf):
        pltpu.make_async_copy(n_out3.at[pl.ds(0, CH), 0], buf, gsem).wait()

    def wait_write(wsem, buf):
        pltpu.make_async_copy(buf, n_out3.at[pl.ds(0, CH), 0], wsem).wait()

    fire_noise(buf0, 0, 0)
    drain_gathers(buf0)
    pltpu.async_copy(buf0, n_out3.at[pl.ds(wid * BPW, CH), 0], wsem0)
    fire_noise(buf1, 0, 1)
    drain_gathers(buf1)
    pltpu.async_copy(buf1, n_out3.at[pl.ds(wid * BPW + CH, CH), 0], wsem1)

    def noise_step(k, carry):
        wait_write(wsem0, buf0)
        fire_noise(buf0, k, 0)
        drain_gathers(buf0)
        pltpu.async_copy(buf0, n_out3.at[pl.ds(wid * BPW, CH), k], wsem0)
        wait_write(wsem1, buf1)
        fire_noise(buf1, k, 1)
        drain_gathers(buf1)
        pltpu.async_copy(buf1, n_out3.at[pl.ds(wid * BPW + CH, CH), k], wsem1)
        return carry

    lax.fori_loop(1, NNEG, noise_step, 0)

    wait_write(wsem0, buf0)
    wait_write(wsem1, buf1)


_mesh = plsc.VectorSubcoreMesh(core_axis_name="c", subcore_axis_name="s")

_tc_gather = functools.partial(
    pl.kernel,
    mesh=_mesh,
    out_type=[
        jax.ShapeDtypeStruct((B, D), jnp.float32),
        jax.ShapeDtypeStruct((B, D), jnp.float32),
    ],
    scratch_types=[
        pltpu.VMEM((2 * TR, SUB), jnp.int32),
        pltpu.VMEM((CH, D), jnp.float32),
        pltpu.VMEM((CH, D), jnp.float32),
        pltpu.SemaphoreType.DMA,
        pltpu.SemaphoreType.DMA,
        pltpu.SemaphoreType.DMA,
    ],
)(_tc_body)

_noise_gather = functools.partial(
    pl.kernel,
    mesh=_mesh,
    out_type=[
        jax.ShapeDtypeStruct((B, NNEG, D), jnp.float32),
    ],
    scratch_types=[
        pltpu.VMEM((NNEG, BPW), jnp.int32),
        pltpu.VMEM((CH, D), jnp.float32),
        pltpu.VMEM((CH, D), jnp.float32),
        pltpu.SemaphoreType.DMA,
        pltpu.SemaphoreType.DMA,
        pltpu.SemaphoreType.DMA,
    ],
)(_noise_body)


def kernel(target, context, noise, input_embedding, output_embedding):
    t2 = target.astype(jnp.int32).reshape(B // SUB, SUB)
    c2 = context.astype(jnp.int32).reshape(B // SUB, SUB)
    nT = noise.astype(jnp.int32).T
    t_out, c_out = _tc_gather(t2, c2, input_embedding, output_embedding)
    (n_out,) = _noise_gather(nT, output_embedding)
    return t_out, c_out, n_out

# --- scband reference (transcript-rebuilt; emitter-appended) ---
"""Pipeline reference for scband-skip-gram-negative-sampling-16681652977783 (READ-ONLY COPY).

The authoritative reference and input builder live on the scoring server;
editing this copy changes nothing except your own understanding.
"""

import jax, jax.numpy as jnp
import numpy as np

VOCAB_SIZE = 100000
EMBED_SIZE = 128
BATCH = 16384
NUM_NEG = 20


def setup_inputs(seed: int = 0) -> dict:
    key = jax.random.key(seed)
    k1, k2, k3, k4, k5 = jax.random.split(key, 5)
    target = jax.random.randint(k1, (BATCH,), 0, VOCAB_SIZE, dtype=jnp.int64 if jax.config.jax_enable_x64 else jnp.int32)
    context = jax.random.randint(k2, (BATCH,), 0, VOCAB_SIZE, dtype=jnp.int64 if jax.config.jax_enable_x64 else jnp.int32)
    noise = jax.random.randint(k3, (BATCH, NUM_NEG), 0, VOCAB_SIZE, dtype=jnp.int64 if jax.config.jax_enable_x64 else jnp.int32)
    # Embedding tables initialized uniform(-1, 1) as in the torch module
    input_embedding = jax.random.uniform(k4, (VOCAB_SIZE, EMBED_SIZE), dtype=jnp.float32, minval=-1.0, maxval=1.0)
    output_embedding = jax.random.uniform(k5, (VOCAB_SIZE, EMBED_SIZE), dtype=jnp.float32, minval=-1.0, maxval=1.0)
    return {
        "target": target,
        "context": context,
        "noise": noise,
        "input_embedding": input_embedding,
        "output_embedding": output_embedding,
    }


def reference(target, context, noise, input_embedding, output_embedding):
    target_embed = jnp.take(input_embedding, target, axis=0)
    context_embed = jnp.take(output_embedding, context, axis=0)
    noise_embed = jnp.take(output_embedding, noise, axis=0)
    return (target_embed, context_embed, noise_embed)

if __name__ == "__main__":
    import jax
    _d = setup_inputs()
    print(jax.jit(kernel)(*tuple(_d.values())))

</pallas_src>

<mosaic_0001>
#map = affine_map<(d0, d1) -> (0, 0)>
module attributes {stable_mosaic.version = 14 : i64} {
  func.func @_tc_body(%arg0: i32, %arg1: i32, %arg2: memref<128x128xi32, #tpu.memory_space<hbm>>, %arg3: memref<128x128xi32, #tpu.memory_space<hbm>>, %arg4: memref<100000x128xf32, #tpu.memory_space<hbm>>, %arg5: memref<100000x128xf32, #tpu.memory_space<hbm>>, %arg6: memref<16384x128xf32, #tpu.memory_space<hbm>>, %arg7: memref<16384x128xf32, #tpu.memory_space<hbm>>, %arg8: memref<8x128xi32, #tpu.memory_space<vmem>>, %arg9: memref<256x128xf32, #tpu.memory_space<vmem>>, %arg10: memref<256x128xf32, #tpu.memory_space<vmem>>, %arg11: memref<!tpu.dma_semaphore, #tpu.memory_space<semaphore_mem>>, %arg12: memref<!tpu.dma_semaphore, #tpu.memory_space<semaphore_mem>>, %arg13: memref<!tpu.dma_semaphore, #tpu.memory_space<semaphore_mem>>) attributes {dimension_semantics = [#tpu.dimension_semantics<core_parallel>, #tpu.dimension_semantics<subcore_parallel>], iteration_bounds = array<i64: 2, 16>, scalar_prefetch = 0 : i64, scratch_operands = 6 : i64, tpu.core_type = #tpu.core_type<sc_vector_subcore>, window_params = [{transform_indices = #map}, {transform_indices = #map}, {transform_indices = #map}, {transform_indices = #map}, {transform_indices = #map}, {transform_indices = #map}]} {
    %mul3A = arith.constant 2 : i32
    %mul3A_0 = arith.muli %arg1, %mul3A : i32
    %add3A = arith.addi %mul3A_0, %arg0 : i32
    %mul3A_1 = arith.constant 4 : i32
    %mul3A_2 = arith.muli %add3A, %mul3A_1 : i32
    "tpu.region"() ({
      %run_scoped3A = tpu.sem_alloc : memref<!tpu.dma_semaphore, #tpu.memory_space<semaphore_mem>>
      %dma_start3A_163 = arith.constant 0 : i32
      %dma_start3A_164 = arith.constant 0 : i32
      %dma_start3A_165 = tpu.memref_slice %arg8[%dma_start3A_163, %dma_start3A_164] : memref<8x128xi32, #tpu.memory_space<vmem>> -> memref<4x128xi32, #tpu.memory_space<vmem>>
      %dma_start3A_166 = arith.constant 0 : i32
      %dma_start3A_167 = tpu.memref_slice %arg2[%mul3A_2, %dma_start3A_166] : memref<128x128xi32, #tpu.memory_space<hbm>> -> memref<4x128xi32, #tpu.memory_space<hbm>>
      %dma_start3A_168 = arith.constant 0 : i32
      %dma_start3A_169 = arith.constant 0 : i32
      %dma_start3A_170 = tpu.memref_slice %arg8[%dma_start3A_168, %dma_start3A_169] : memref<8x128xi32, #tpu.memory_space<vmem>> -> memref<4x128xi32, #tpu.memory_space<vmem>>
      %dma_start3A_171 = arith.constant 0 : i32
      %dma_start3A_172 = tpu.memref_slice %arg2[%mul3A_2, %dma_start3A_171] : memref<128x128xi32, #tpu.memory_space<hbm>> -> memref<4x128xi32, #tpu.memory_space<hbm>>
      tpu.enqueue_dma source(%dma_start3A_172 : memref<4x128xi32, #tpu.memory_space<hbm>>) target(%dma_start3A_170 : memref<4x128xi32, #tpu.memory_space<vmem>>) target_semaphore(%run_scoped3A : memref<!tpu.dma_semaphore, #tpu.memory_space<semaphore_mem>>)
      %dma_wait3A_173 = arith.constant 0 : i32
      %dma_wait3A_174 = arith.constant 0 : i32
      %dma_wait3A_175 = tpu.memref_slice %arg8[%dma_wait3A_173, %dma_wait3A_174] : memref<8x128xi32, #tpu.memory_space<vmem>> -> memref<4x128xi32, #tpu.memory_space<vmem>>
      %dma_wait3A_176 = arith.constant 0 : i32
      %dma_wait3A_177 = tpu.memref_slice %arg2[%mul3A_2, %dma_wait3A_176] : memref<128x128xi32, #tpu.memory_space<hbm>> -> memref<4x128xi32, #tpu.memory_space<hbm>>
      %dma_wait3A_178 = arith.constant 0 : i32
      %dma_wait3A_179 = arith.constant 0 : i32
      %dma_wait3A_180 = tpu.memref_slice %arg8[%dma_wait3A_178, %dma_wait3A_179] : memref<8x128xi32, #tpu.memory_space<vmem>> -> memref<4x128xi32, #tpu.memory_space<vmem>>
      %dma_wait3A_181 = arith.constant 0 : i32
      %dma_wait3A_182 = tpu.memref_slice %arg2[%mul3A_2, %dma_wait3A_181] : memref<128x128xi32, #tpu.memory_space<hbm>> -> memref<4x128xi32, #tpu.memory_space<hbm>>
      tpu.wait_dma2 semaphore(%run_scoped3A : memref<!tpu.dma_semaphore, #tpu.memory_space<semaphore_mem>>) src(%dma_wait3A_182 : memref<4x128xi32, #tpu.memory_space<hbm>>) dst(%dma_wait3A_180 : memref<4x128xi32, #tpu.memory_space<vmem>>)
      tpu.yield
    }) : () -> ()
    %mul3A_3 = arith.constant 4 : i32
    %mul3A_4 = arith.muli %add3A, %mul3A_3 : i32
    "tpu.region"() ({
      %run_scoped3A = tpu.sem_alloc : memref<!tpu.dma_semaphore, #tpu.memory_space<semaphore_mem>>
      %dma_start3A_163 = arith.constant 4 : i32
      %dma_start3A_164 = arith.constant 0 : i32
      %dma_start3A_165 = tpu.memref_slice %arg8[%dma_start3A_163, %dma_start3A_164] : memref<8x128xi32, #tpu.memory_space<vmem>> -> memref<4x128xi32, #tpu.memory_space<vmem>>
      %dma_start3A_166 = arith.constant 0 : i32
      %dma_start3A_167 = tpu.memref_slice %arg3[%mul3A_4, %dma_start3A_166] : memref<128x128xi32, #tpu.memory_space<hbm>> -> memref<4x128xi32, #tpu.memory_space<hbm>>
      %dma_start3A_168 = arith.constant 4 : i32
      %dma_start3A_169 = arith.constant 0 : i32
      %dma_start3A_170 = tpu.memref_slice %arg8[%dma_start3A_168, %dma_start3A_169] : memref<8x128xi32, #tpu.memory_space<vmem>> -> memref<4x128xi32, #tpu.memory_space<vmem>>
      %dma_start3A_171 = arith.constant 0 : i32
      %dma_start3A_172 = tpu.memref_slice %arg3[%mul3A_4, %dma_start3A_171] : memref<128x128xi32, #tpu.memory_space<hbm>> -> memref<4x128xi32, #tpu.memory_space<hbm>>
      tpu.enqueue_dma source(%dma_start3A_172 : memref<4x128xi32, #tpu.memory_space<hbm>>) target(%dma_start3A_170 : memref<4x128xi32, #tpu.memory_space<vmem>>) target_semaphore(%run_scoped3A : memref<!tpu.dma_semaphore, #tpu.memory_space<semaphore_mem>>)
      %dma_wait3A_173 = arith.constant 4 : i32
      %dma_wait3A_174 = arith.constant 0 : i32
      %dma_wait3A_175 = tpu.memref_slice %arg8[%dma_wait3A_173, %dma_wait3A_174] : memref<8x128xi32, #tpu.memory_space<vmem>> -> memref<4x128xi32, #tpu.memory_space<vmem>>
      %dma_wait3A_176 = arith.constant 0 : i32
      %dma_wait3A_177 = tpu.memref_slice %arg3[%mul3A_4, %dma_wait3A_176] : memref<128x128xi32, #tpu.memory_space<hbm>> -> memref<4x128xi32, #tpu.memory_space<hbm>>
      %dma_wait3A_178 = arith.constant 4 : i32
      %dma_wait3A_179 = arith.constant 0 : i32
      %dma_wait3A_180 = tpu.memref_slice %arg8[%dma_wait3A_178, %dma_wait3A_179] : memref<8x128xi32, #tpu.memory_space<vmem>> -> memref<4x128xi32, #tpu.memory_space<vmem>>
      %dma_wait3A_181 = arith.constant 0 : i32
      %dma_wait3A_182 = tpu.memref_slice %arg3[%mul3A_4, %dma_wait3A_181] : memref<128x128xi32, #tpu.memory_space<hbm>> -> memref<4x128xi32, #tpu.memory_space<hbm>>
      tpu.wait_dma2 semaphore(%run_scoped3A : memref<!tpu.dma_semaphore, #tpu.memory_space<semaphore_mem>>) src(%dma_wait3A_182 : memref<4x128xi32, #tpu.memory_space<hbm>>) dst(%dma_wait3A_180 : memref<4x128xi32, #tpu.memory_space<vmem>>)
      tpu.yield
    }) : () -> ()
    %dma_start3A = arith.constant 0 : i32
    %dma_start3A_5 = arith.constant 0 : i32
    %dma_start3A_6 = arith.constant 0 : i32
    %dma_start3A_7 = tpu.memref_slice %arg9[%dma_start3A_5, %dma_start3A_6] : memref<256x128xf32, #tpu.memory_space<vmem>> -> memref<128x128xf32, #tpu.memory_space<vmem>>
    %dma_start3A_8 = arith.constant 0 : i32
    %dma_start3A_9 = tpu.memref_slice %arg8[%dma_start3A, %dma_start3A_8] : memref<8x128xi32, #tpu.memory_space<vmem>> -> memref<1x128xi32, #tpu.memory_space<vmem>>
    %dma_start3A_10 = tpu.memref_squeeze %dma_start3A_9 : memref<1x128xi32, #tpu.memory_space<vmem>> -> memref<128xi32, #tpu.memory_space<vmem>>
    %dma_start3A_11 = arith.constant 0 : i32
    %dma_start3A_12 = arith.constant 0 : i32
    %dma_start3A_13 = tpu.memref_slice %arg4[%dma_start3A_11, %dma_start3A_12] : memref<100000x128xf32, #tpu.memory_space<hbm>> -> memref<100000x128xf32, #tpu.memory_space<hbm>>
    tpu.enqueue_indirect_dma source(%dma_start3A_13 : memref<100000x128xf32, #tpu.memory_space<hbm>>) target(%dma_start3A_7 : memref<128x128xf32, #tpu.memory_space<vmem>>) offsets(%dma_start3A_10 : memref<128xi32, #tpu.memory_space<vmem>>) semaphore(%arg11 : memref<!tpu.dma_semaphore, #tpu.memory_space<semaphore_mem>>)
    %dma_start3A_14 = arith.constant 1 : i32
    %dma_start3A_15 = arith.constant 128 : i32
    %dma_start3A_16 = arith.constant 0 : i32
    %dma_start3A_17 = tpu.memref_slice %arg9[%dma_start3A_15, %dma_start3A_16] : memref<256x128xf32, #tpu.memory_space<vmem>> -> memref<128x128xf32, #tpu.memory_space<vmem>>
    %dma_start3A_18 = arith.constant 0 : i32
    %dma_start3A_19 = tpu.memref_slice %arg8[%dma_start3A_14, %dma_start3A_18] : memref<8x128xi32, #tpu.memory_space<vmem>> -> memref<1x128xi32, #tpu.memory_space<vmem>>
    %dma_start3A_20 = tpu.memref_squeeze %dma_start3A_19 : memref<1x128xi32, #tpu.memory_space<vmem>> -> memref<128xi32, #tpu.memory_space<vmem>>
    %dma_start3A_21 = arith.constant 0 : i32
    %dma_start3A_22 = arith.constant 0 : i32
    %dma_start3A_23 = tpu.memref_slice %arg4[%dma_start3A_21, %dma_start3A_22] : memref<100000x128xf32, #tpu.memory_space<hbm>> -> memref<100000x128xf32, #tpu.memory_space<hbm>>
    tpu.enqueue_indirect_dma source(%dma_start3A_23 : memref<100000x128xf32, #tpu.memory_space<hbm>>) target(%dma_start3A_17 : memref<128x128xf32, #tpu.memory_space<vmem>>) offsets(%dma_start3A_20 : memref<128xi32, #tpu.memory_space<vmem>>) semaphore(%arg11 : memref<!tpu.dma_semaphore, #tpu.memory_space<semaphore_mem>>)
    %dma_wait3A = arith.constant 0 : i32
    %dma_wait3A_24 = arith.constant 0 : i32
    %dma_wait3A_25 = tpu.memref_slice %arg6[%dma_wait3A, %dma_wait3A_24] : memref<16384x128xf32, #tpu.memory_space<hbm>> -> memref<256x128xf32, #tpu.memory_space<hbm>>
    %dma_wait3A_26 = arith.constant 0 : i32
    %dma_wait3A_27 = arith.constant 0 : i32
    %dma_wait3A_28 = tpu.memref_slice %arg6[%dma_wait3A_26, %dma_wait3A_27] : memref<16384x128xf32, #tpu.memory_space<hbm>> -> memref<256x128xf32, #tpu.memory_space<hbm>>
    tpu.wait_dma2 semaphore(%arg11 : memref<!tpu.dma_semaphore, #tpu.memory_space<semaphore_mem>>) src(%dma_wait3A_28 : memref<256x128xf32, #tpu.memory_space<hbm>>) dst(%arg9 : memref<256x128xf32, #tpu.memory_space<vmem>>)
    %mul3A_29 = arith.constant 512 : i32
    %mul3A_30 = arith.muli %add3A, %mul3A_29 : i32
    %add3A_31 = arith.constant 0 : i32
    %add3A_32 = arith.addi %mul3A_30, %add3A_31 : i32
    %dma_start3A_33 = arith.constant 0 : i32
    %dma_start3A_34 = tpu.memref_slice %arg6[%add3A_32, %dma_start3A_33] : memref<16384x128xf32, #tpu.memory_space<hbm>> -> memref<256x128xf32, #tpu.memory_space<hbm>>
    %dma_start3A_35 = arith.constant 0 : i32
    %dma_start3A_36 = tpu.memref_slice %arg6[%add3A_32, %dma_start3A_35] : memref<16384x128xf32, #tpu.memory_space<hbm>> -> memref<256x128xf32, #tpu.memory_space<hbm>>
    tpu.enqueue_dma source(%arg9 : memref<256x128xf32, #tpu.memory_space<vmem>>) target(%dma_start3A_36 : memref<256x128xf32, #tpu.memory_space<hbm>>) target_semaphore(%arg12 : memref<!tpu.dma_semaphore, #tpu.memory_space<semaphore_mem>>)
    %dma_start3A_37 = arith.constant 2 : i32
    %dma_start3A_38 = arith.constant 0 : i32
    %dma_start3A_39 = arith.constant 0 : i32
    %dma_start3A_40 = tpu.memref_slice %arg10[%dma_start3A_38, %dma_start3A_39] : memref<256x128xf32, #tpu.memory_space<vmem>> -> memref<128x128xf32, #tpu.memory_space<vmem>>
    %dma_start3A_41 = arith.constant 0 : i32
    %dma_start3A_42 = tpu.memref_slice %arg8[%dma_start3A_37, %dma_start3A_41] : memref<8x128xi32, #tpu.memory_space<vmem>> -> memref<1x128xi32, #tpu.memory_space<vmem>>
    %dma_start3A_43 = tpu.memref_squeeze %dma_start3A_42 : memref<1x128xi32, #tpu.memory_space<vmem>> -> memref<128xi32, #tpu.memory_space<vmem>>
    %dma_start3A_44 = arith.constant 0 : i32
    %dma_start3A_45 = arith.constant 0 : i32
    %dma_start3A_46 = tpu.memref_slice %arg4[%dma_start3A_44, %dma_start3A_45] : memref<100000x128xf32, #tpu.memory_space<hbm>> -> memref<100000x128xf32, #tpu.memory_space<hbm>>
    tpu.enqueue_indirect_dma source(%dma_start3A_46 : memref<100000x128xf32, #tpu.memory_space<hbm>>) target(%dma_start3A_40 : memref<128x128xf32, #tpu.memory_space<vmem>>) offsets(%dma_start3A_43 : memref<128xi32, #tpu.memory_space<vmem>>) semaphore(%arg11 : memref<!tpu.dma_semaphore, #tpu.memory_space<semaphore_mem>>)
    %dma_start3A_47 = arith.constant 3 : i32
    %dma_start3A_48 = arith.constant 128 : i32
    %dma_start3A_49 = arith.constant 0 : i32
    %dma_start3A_50 = tpu.memref_slice %arg10[%dma_start3A_48, %dma_start3A_49] : memref<256x128xf32, #tpu.memory_space<vmem>> -> memref<128x128xf32, #tpu.memory_space<vmem>>
    %dma_start3A_51 = arith.constant 0 : i32
    %dma_start3A_52 = tpu.memref_slice %arg8[%dma_start3A_47, %dma_start3A_51] : memref<8x128xi32, #tpu.memory_space<vmem>> -> memref<1x128xi32, #tpu.memory_space<vmem>>
    %dma_start3A_53 = tpu.memref_squeeze %dma_start3A_52 : memref<1x128xi32, #tpu.memory_space<vmem>> -> memref<128xi32, #tpu.memory_space<vmem>>
    %dma_start3A_54 = arith.constant 0 : i32
    %dma_start3A_55 = arith.constant 0 : i32
    %dma_start3A_56 = tpu.memref_slice %arg4[%dma_start3A_54, %dma_start3A_55] : memref<100000x128xf32, #tpu.memory_space<hbm>> -> memref<100000x128xf32, #tpu.memory_space<hbm>>
    tpu.enqueue_indirect_dma source(%dma_start3A_56 : memref<100000x128xf32, #tpu.memory_space<hbm>>) target(%dma_start3A_50 : memref<128x128xf32, #tpu.memory_space<vmem>>) offsets(%dma_start3A_53 : memref<128xi32, #tpu.memory_space<vmem>>) semaphore(%arg11 : memref<!tpu.dma_semaphore, #tpu.memory_space<semaphore_mem>>)
    %dma_wait3A_57 = arith.constant 0 : i32
    %dma_wait3A_58 = arith.constant 0 : i32
    %dma_wait3A_59 = tpu.memref_slice %arg6[%dma_wait3A_57, %dma_wait3A_58] : memref<16384x128xf32, #tpu.memory_space<hbm>> -> memref<256x128xf32, #tpu.memory_space<hbm>>
    %dma_wait3A_60 = arith.constant 0 : i32
    %dma_wait3A_61 = arith.constant 0 : i32
    %dma_wait3A_62 = tpu.memref_slice %arg6[%dma_wait3A_60, %dma_wait3A_61] : memref<16384x128xf32, #tpu.memory_space<hbm>> -> memref<256x128xf32, #tpu.memory_space<hbm>>
    tpu.wait_dma2 semaphore(%arg11 : memref<!tpu.dma_semaphore, #tpu.memory_space<semaphore_mem>>) src(%dma_wait3A_62 : memref<256x128xf32, #tpu.memory_space<hbm>>) dst(%arg10 : memref<256x128xf32, #tpu.memory_space<vmem>>)
    %mul3A_63 = arith.constant 512 : i32
    %mul3A_64 = arith.muli %add3A, %mul3A_63 : i32
    %add3A_65 = arith.constant 256 : i32
    %add3A_66 = arith.addi %mul3A_64, %add3A_65 : i32
    %dma_start3A_67 = arith.constant 0 : i32
    %dma_start3A_68 = tpu.memref_slice %arg6[%add3A_66, %dma_start3A_67] : memref<16384x128xf32, #tpu.memory_space<hbm>> -> memref<256x128xf32, #tpu.memory_space<hbm>>
    %dma_start3A_69 = arith.constant 0 : i32
    %dma_start3A_70 = tpu.memref_slice %arg6[%add3A_66, %dma_start3A_69] : memref<16384x128xf32, #tpu.memory_space<hbm>> -> memref<256x128xf32, #tpu.memory_space<hbm>>
    tpu.enqueue_dma source(%arg10 : memref<256x128xf32, #tpu.memory_space<vmem>>) target(%dma_start3A_70 : memref<256x128xf32, #tpu.memory_space<hbm>>) target_semaphore(%arg13 : memref<!tpu.dma_semaphore, #tpu.memory_space<semaphore_mem>>)
    %dma_wait3A_71 = arith.constant 0 : i32
    %dma_wait3A_72 = arith.constant 0 : i32
    %dma_wait3A_73 = tpu.memref_slice %arg6[%dma_wait3A_71, %dma_wait3A_72] : memref<16384x128xf32, #tpu.memory_space<hbm>> -> memref<256x128xf32, #tpu.memory_space<hbm>>
    %dma_wait3A_74 = arith.constant 0 : i32
    %dma_wait3A_75 = arith.constant 0 : i32
    %dma_wait3A_76 = tpu.memref_slice %arg6[%dma_wait3A_74, %dma_wait3A_75] : memref<16384x128xf32, #tpu.memory_space<hbm>> -> memref<256x128xf32, #tpu.memory_space<hbm>>
    tpu.wait_dma2 semaphore(%arg12 : memref<!tpu.dma_semaphore, #tpu.memory_space<semaphore_mem>>) src(%arg9 : memref<256x128xf32, #tpu.memory_space<vmem>>) dst(%dma_wait3A_76 : memref<256x128xf32, #tpu.memory_space<hbm>>)
    %dma_start3A_77 = arith.constant 4 : i32
    %dma_start3A_78 = arith.constant 0 : i32
    %dma_start3A_79 = arith.constant 0 : i32
    %dma_start3A_80 = tpu.memref_slice %arg9[%dma_start3A_78, %dma_start3A_79] : memref<256x128xf32, #tpu.memory_space<vmem>> -> memref<128x128xf32, #tpu.memory_space<vmem>>
    %dma_start3A_81 = arith.constant 0 : i32
    %dma_start3A_82 = tpu.memref_slice %arg8[%dma_start3A_77, %dma_start3A_81] : memref<8x128xi32, #tpu.memory_space<vmem>> -> memref<1x128xi32, #tpu.memory_space<vmem>>
    %dma_start3A_83 = tpu.memref_squeeze %dma_start3A_82 : memref<1x128xi32, #tpu.memory_space<vmem>> -> memref<128xi32, #tpu.memory_space<vmem>>
    %dma_start3A_84 = arith.constant 0 : i32
    %dma_start3A_85 = arith.constant 0 : i32
    %dma_start3A_86 = tpu.memref_slice %arg5[%dma_start3A_84, %dma_start3A_85] : memref<100000x128xf32, #tpu.memory_space<hbm>> -> memref<100000x128xf32, #tpu.memory_space<hbm>>
    tpu.enqueue_indirect_dma source(%dma_start3A_86 : memref<100000x128xf32, #tpu.memory_space<hbm>>) target(%dma_start3A_80 : memref<128x128xf32, #tpu.memory_space<vmem>>) offsets(%dma_start3A_83 : memref<128xi32, #tpu.memory_space<vmem>>) semaphore(%arg11 : memref<!tpu.dma_semaphore, #tpu.memory_space<semaphore_mem>>)
    %dma_start3A_87 = arith.constant 5 : i32
    %dma_start3A_88 = arith.constant 128 : i32
    %dma_start3A_89 = arith.constant 0 : i32
    %dma_start3A_90 = tpu.memref_slice %arg9[%dma_start3A_88, %dma_start3A_89] : memref<256x128xf32, #tpu.memory_space<vmem>> -> memref<128x128xf32, #tpu.memory_space<vmem>>
    %dma_start3A_91 = arith.constant 0 : i32
    %dma_start3A_92 = tpu.memref_slice %arg8[%dma_start3A_87, %dma_start3A_91] : memref<8x128xi32, #tpu.memory_space<vmem>> -> memref<1x128xi32, #tpu.memory_space<vmem>>
    %dma_start3A_93 = tpu.memref_squeeze %dma_start3A_92 : memref<1x128xi32, #tpu.memory_space<vmem>> -> memref<128xi32, #tpu.memory_space<vmem>>
    %dma_start3A_94 = arith.constant 0 : i32
    %dma_start3A_95 = arith.constant 0 : i32
    %dma_start3A_96 = tpu.memref_slice %arg5[%dma_start3A_94, %dma_start3A_95] : memref<100000x128xf32, #tpu.memory_space<hbm>> -> memref<100000x128xf32, #tpu.memory_space<hbm>>
    tpu.enqueue_indirect_dma source(%dma_start3A_96 : memref<100000x128xf32, #tpu.memory_space<hbm>>) target(%dma_start3A_90 : memref<128x128xf32, #tpu.memory_space<vmem>>) offsets(%dma_start3A_93 : memref<128xi32, #tpu.memory_space<vmem>>) semaphore(%arg11 : memref<!tpu.dma_semaphore, #tpu.memory_space<semaphore_mem>>)
    %dma_wait3A_97 = arith.constant 0 : i32
    %dma_wait3A_98 = arith.constant 0 : i32
    %dma_wait3A_99 = tpu.memref_slice %arg6[%dma_wait3A_97, %dma_wait3A_98] : memref<16384x128xf32, #tpu.memory_space<hbm>> -> memref<256x128xf32, #tpu.memory_space<hbm>>
    %dma_wait3A_100 = arith.constant 0 : i32
    %dma_wait3A_101 = arith.constant 0 : i32
    %dma_wait3A_102 = tpu.memref_slice %arg6[%dma_wait3A_100, %dma_wait3A_101] : memref<16384x128xf32, #tpu.memory_space<hbm>> -> memref<256x128xf32, #tpu.memory_space<hbm>>
    tpu.wait_dma2 semaphore(%arg11 : memref<!tpu.dma_semaphore, #tpu.memory_space<semaphore_mem>>) src(%dma_wait3A_102 : memref<256x128xf32, #tpu.memory_space<hbm>>) dst(%arg9 : memref<256x128xf32, #tpu.memory_space<vmem>>)
    %mul3A_103 = arith.constant 512 : i32
    %mul3A_104 = arith.muli %add3A, %mul3A_103 : i32
    %add3A_105 = arith.constant 0 : i32
    %add3A_106 = arith.addi %mul3A_104, %add3A_105 : i32
    %dma_start3A_107 = arith.constant 0 : i32
    %dma_start3A_108 = tpu.memref_slice %arg7[%add3A_106, %dma_start3A_107] : memref<16384x128xf32, #tpu.memory_space<hbm>> -> memref<256x128xf32, #tpu.memory_space<hbm>>
    %dma_start3A_109 = arith.constant 0 : i32
    %dma_start3A_110 = tpu.memref_slice %arg7[%add3A_106, %dma_start3A_109] : memref<16384x128xf32, #tpu.memory_space<hbm>> -> memref<256x128xf32, #tpu.memory_space<hbm>>
    tpu.enqueue_dma source(%arg9 : memref<256x128xf32, #tpu.memory_space<vmem>>) target(%dma_start3A_110 : memref<256x128xf32, #tpu.memory_space<hbm>>) target_semaphore(%arg12 : memref<!tpu.dma_semaphore, #tpu.memory_space<semaphore_mem>>)
    %dma_wait3A_111 = arith.constant 0 : i32
    %dma_wait3A_112 = arith.constant 0 : i32
    %dma_wait3A_113 = tpu.memref_slice %arg6[%dma_wait3A_111, %dma_wait3A_112] : memref<16384x128xf32, #tpu.memory_space<hbm>> -> memref<256x128xf32, #tpu.memory_space<hbm>>
    %dma_wait3A_114 = arith.constant 0 : i32
    %dma_wait3A_115 = arith.constant 0 : i32
    %dma_wait3A_116 = tpu.memref_slice %arg6[%dma_wait3A_114, %dma_wait3A_115] : memref<16384x128xf32, #tpu.memory_space<hbm>> -> memref<256x128xf32, #tpu.memory_space<hbm>>
    tpu.wait_dma2 semaphore(%arg13 : memref<!tpu.dma_semaphore, #tpu.memory_space<semaphore_mem>>) src(%arg10 : memref<256x128xf32, #tpu.memory_space<vmem>>) dst(%dma_wait3A_116 : memref<256x128xf32, #tpu.memory_space<hbm>>)
    %dma_start3A_117 = arith.constant 6 : i32
    %dma_start3A_118 = arith.constant 0 : i32
    %dma_start3A_119 = arith.constant 0 : i32
    %dma_start3A_120 = tpu.memref_slice %arg10[%dma_start3A_118, %dma_start3A_119] : memref<256x128xf32, #tpu.memory_space<vmem>> -> memref<128x128xf32, #tpu.memory_space<vmem>>
    %dma_start3A_121 = arith.constant 0 : i32
    %dma_start3A_122 = tpu.memref_slice %arg8[%dma_start3A_117, %dma_start3A_121] : memref<8x128xi32, #tpu.memory_space<vmem>> -> memref<1x128xi32, #tpu.memory_space<vmem>>
    %dma_start3A_123 = tpu.memref_squeeze %dma_start3A_122 : memref<1x128xi32, #tpu.memory_space<vmem>> -> memref<128xi32, #tpu.memory_space<vmem>>
    %dma_start3A_124 = arith.constant 0 : i32
    %dma_start3A_125 = arith.constant 0 : i32
    %dma_start3A_126 = tpu.memref_slice %arg5[%dma_start3A_124, %dma_start3A_125] : memref<100000x128xf32, #tpu.memory_space<hbm>> -> memref<100000x128xf32, #tpu.memory_space<hbm>>
    tpu.enqueue_indirect_dma source(%dma_start3A_126 : memref<100000x128xf32, #tpu.memory_space<hbm>>) target(%dma_start3A_120 : memref<128x128xf32, #tpu.memory_space<vmem>>) offsets(%dma_start3A_123 : memref<128xi32, #tpu.memory_space<vmem>>) semaphore(%arg11 : memref<!tpu.dma_semaphore, #tpu.memory_space<semaphore_mem>>)
    %dma_start3A_127 = arith.constant 7 : i32
    %dma_start3A_128 = arith.constant 128 : i32
    %dma_start3A_129 = arith.constant 0 : i32
    %dma_start3A_130 = tpu.memref_slice %arg10[%dma_start3A_128, %dma_start3A_129] : memref<256x128xf32, #tpu.memory_space<vmem>> -> memref<128x128xf32, #tpu.memory_space<vmem>>
    %dma_start3A_131 = arith.constant 0 : i32
    %dma_start3A_132 = tpu.memref_slice %arg8[%dma_start3A_127, %dma_start3A_131] : memref<8x128xi32, #tpu.memory_space<vmem>> -> memref<1x128xi32, #tpu.memory_space<vmem>>
    %dma_start3A_133 = tpu.memref_squeeze %dma_start3A_132 : memref<1x128xi32, #tpu.memory_space<vmem>> -> memref<128xi32, #tpu.memory_space<vmem>>
    %dma_start3A_134 = arith.constant 0 : i32
    %dma_start3A_135 = arith.constant 0 : i32
    %dma_start3A_136 = tpu.memref_slice %arg5[%dma_start3A_134, %dma_start3A_135] : memref<100000x128xf32, #tpu.memory_space<hbm>> -> memref<100000x128xf32, #tpu.memory_space<hbm>>
    tpu.enqueue_indirect_dma source(%dma_start3A_136 : memref<100000x128xf32, #tpu.memory_space<hbm>>) target(%dma_start3A_130 : memref<128x128xf32, #tpu.memory_space<vmem>>) offsets(%dma_start3A_133 : memref<128xi32, #tpu.memory_space<vmem>>) semaphore(%arg11 : memref<!tpu.dma_semaphore, #tpu.memory_space<semaphore_mem>>)
    %dma_wait3A_137 = arith.constant 0 : i32
    %dma_wait3A_138 = arith.constant 0 : i32
    %dma_wait3A_139 = tpu.memref_slice %arg6[%dma_wait3A_137, %dma_wait3A_138] : memref<16384x128xf32, #tpu.memory_space<hbm>> -> memref<256x128xf32, #tpu.memory_space<hbm>>
    %dma_wait3A_140 = arith.constant 0 : i32
    %dma_wait3A_141 = arith.constant 0 : i32
    %dma_wait3A_142 = tpu.memref_slice %arg6[%dma_wait3A_140, %dma_wait3A_141] : memref<16384x128xf32, #tpu.memory_space<hbm>> -> memref<256x128xf32, #tpu.memory_space<hbm>>
    tpu.wait_dma2 semaphore(%arg11 : memref<!tpu.dma_semaphore, #tpu.memory_space<semaphore_mem>>) src(%dma_wait3A_142 : memref<256x128xf32, #tpu.memory_space<hbm>>) dst(%arg10 : memref<256x128xf32, #tpu.memory_space<vmem>>)
    %mul3A_143 = arith.constant 512 : i32
    %mul3A_144 = arith.muli %add3A, %mul3A_143 : i32
    %add3A_145 = arith.constant 256 : i32
    %add3A_146 = arith.addi %mul3A_144, %add3A_145 : i32
    %dma_start3A_147 = arith.constant 0 : i32
    %dma_start3A_148 = tpu.memref_slice %arg7[%add3A_146, %dma_start3A_147] : memref<16384x128xf32, #tpu.memory_space<hbm>> -> memref<256x128xf32, #tpu.memory_space<hbm>>
    %dma_start3A_149 = arith.constant 0 : i32
    %dma_start3A_150 = tpu.memref_slice %arg7[%add3A_146, %dma_start3A_149] : memref<16384x128xf32, #tpu.memory_space<hbm>> -> memref<256x128xf32, #tpu.memory_space<hbm>>
    tpu.enqueue_dma source(%arg10 : memref<256x128xf32, #tpu.memory_space<vmem>>) target(%dma_start3A_150 : memref<256x128xf32, #tpu.memory_space<hbm>>) target_semaphore(%arg13 : memref<!tpu.dma_semaphore, #tpu.memory_space<semaphore_mem>>)
    %dma_wait3A_151 = arith.constant 0 : i32
    %dma_wait3A_152 = arith.constant 0 : i32
    %dma_wait3A_153 = tpu.memref_slice %arg6[%dma_wait3A_151, %dma_wait3A_152] : memref<16384x128xf32, #tpu.memory_space<hbm>> -> memref<256x128xf32, #tpu.memory_space<hbm>>
    %dma_wait3A_154 = arith.constant 0 : i32
    %dma_wait3A_155 = arith.constant 0 : i32
    %dma_wait3A_156 = tpu.memref_slice %arg6[%dma_wait3A_154, %dma_wait3A_155] : memref<16384x128xf32, #tpu.memory_space<hbm>> -> memref<256x128xf32, #tpu.memory_space<hbm>>
    tpu.wait_dma2 semaphore(%arg12 : memref<!tpu.dma_semaphore, #tpu.memory_space<semaphore_mem>>) src(%arg9 : memref<256x128xf32, #tpu.memory_space<vmem>>) dst(%dma_wait3A_156 : memref<256x128xf32, #tpu.memory_space<hbm>>)
    %dma_wait3A_157 = arith.constant 0 : i32
    %dma_wait3A_158 = arith.constant 0 : i32
    %dma_wait3A_159 = tpu.memref_slice %arg6[%dma_wait3A_157, %dma_wait3A_158] : memref<16384x128xf32, #tpu.memory_space<hbm>> -> memref<256x128xf32, #tpu.memory_space<hbm>>
    %dma_wait3A_160 = arith.constant 0 : i32
    %dma_wait3A_161 = arith.constant 0 : i32
    %dma_wait3A_162 = tpu.memref_slice %arg6[%dma_wait3A_160, %dma_wait3A_161] : memref<16384x128xf32, #tpu.memory_space<hbm>> -> memref<256x128xf32, #tpu.memory_space<hbm>>
    tpu.wait_dma2 semaphore(%arg13 : memref<!tpu.dma_semaphore, #tpu.memory_space<semaphore_mem>>) src(%arg10 : memref<256x128xf32, #tpu.memory_space<vmem>>) dst(%dma_wait3A_162 : memref<256x128xf32, #tpu.memory_space<hbm>>)
    return
  }
}

#map = affine_map<(d0, d1) -> (0, 0)>
#map1 = affine_map<(d0, d1) -> (0, 0, 0)>
module attributes {stable_mosaic.version = 14 : i64} {
  func.func @_noise_body(%arg0: i32, %arg1: i32, %arg2: memref<20x16384xi32, #tpu.memory_space<hbm>>, %arg3: memref<100000x128xf32, #tpu.memory_space<hbm>>, %arg4: memref<16384x20x128xf32, #tpu.memory_space<hbm>>, %arg5: memref<20x512xi32, #tpu.memory_space<vmem>>, %arg6: memref<256x128xf32, #tpu.memory_space<vmem>>, %arg7: memref<256x128xf32, #tpu.memory_space<vmem>>, %arg8: memref<!tpu.dma_semaphore, #tpu.memory_space<semaphore_mem>>, %arg9: memref<!tpu.dma_semaphore, #tpu.memory_space<semaphore_mem>>, %arg10: memref<!tpu.dma_semaphore, #tpu.memory_space<semaphore_mem>>) attributes {dimension_semantics = [#tpu.dimension_semantics<core_parallel>, #tpu.dimension_semantics<subcore_parallel>], iteration_bounds = array<i64: 2, 16>, scalar_prefetch = 0 : i64, scratch_operands = 6 : i64, tpu.core_type = #tpu.core_type<sc_vector_subcore>, window_params = [{transform_indices = #map}, {transform_indices = #map}, {transform_indices = #map1}]} {
    %mul3A = arith.constant 2 : i32
    %mul3A_0 = arith.muli %arg1, %mul3A : i32
    %add3A = arith.addi %mul3A_0, %arg0 : i32
    %mul3A_1 = arith.constant 512 : i32
    %mul3A_2 = arith.muli %add3A, %mul3A_1 : i32
    "tpu.region"() ({
      %run_scoped3A = tpu.sem_alloc : memref<!tpu.dma_semaphore, #tpu.memory_space<semaphore_mem>>
      %dma_start3A_102 = arith.constant 0 : i32
      %dma_start3A_103 = tpu.memref_slice %arg2[%dma_start3A_102, %mul3A_2] : memref<20x16384xi32, #tpu.memory_space<hbm>> -> memref<20x512xi32, #tpu.memory_space<hbm>>
      %dma_start3A_104 = arith.constant 0 : i32
      %dma_start3A_105 = tpu.memref_slice %arg2[%dma_start3A_104, %mul3A_2] : memref<20x16384xi32, #tpu.memory_space<hbm>> -> memref<20x512xi32, #tpu.memory_space<hbm>>
      tpu.enqueue_dma source(%dma_start3A_105 : memref<20x512xi32, #tpu.memory_space<hbm>>) target(%arg5 : memref<20x512xi32, #tpu.memory_space<vmem>>) target_semaphore(%run_scoped3A : memref<!tpu.dma_semaphore, #tpu.memory_space<semaphore_mem>>)
      %dma_wait3A_106 = arith.constant 0 : i32
      %dma_wait3A_107 = tpu.memref_slice %arg2[%dma_wait3A_106, %mul3A_2] : memref<20x16384xi32, #tpu.memory_space<hbm>> -> memref<20x512xi32, #tpu.memory_space<hbm>>
      %dma_wait3A_108 = arith.constant 0 : i32
      %dma_wait3A_109 = tpu.memref_slice %arg2[%dma_wait3A_108, %mul3A_2] : memref<20x16384xi32, #tpu.memory_space<hbm>> -> memref<20x512xi32, #tpu.memory_space<hbm>>
      tpu.wait_dma2 semaphore(%run_scoped3A : memref<!tpu.dma_semaphore, #tpu.memory_space<semaphore_mem>>) src(%dma_wait3A_109 : memref<20x512xi32, #tpu.memory_space<hbm>>) dst(%arg5 : memref<20x512xi32, #tpu.memory_space<vmem>>)
      tpu.yield
    }) : () -> ()
    %dma_start3A = arith.constant 0 : i32
    %dma_start3A_3 = arith.constant 0 : i32
    %dma_start3A_4 = arith.constant 0 : i32
    %dma_start3A_5 = tpu.memref_slice %arg6[%dma_start3A_3, %dma_start3A_4] : memref<256x128xf32, #tpu.memory_space<vmem>> -> memref<128x128xf32, #tpu.memory_space<vmem>>
    %dma_start3A_6 = arith.constant 0 : i32
    %dma_start3A_7 = tpu.memref_slice %arg5[%dma_start3A, %dma_start3A_6] : memref<20x512xi32, #tpu.memory_space<vmem>> -> memref<1x128xi32, #tpu.memory_space<vmem>>
    %dma_start3A_8 = tpu.memref_squeeze %dma_start3A_7 : memref<1x128xi32, #tpu.memory_space<vmem>> -> memref<128xi32, #tpu.memory_space<vmem>>
    %dma_start3A_9 = arith.constant 0 : i32
    %dma_start3A_10 = arith.constant 0 : i32
    %dma_start3A_11 = tpu.memref_slice %arg3[%dma_start3A_9, %dma_start3A_10] : memref<100000x128xf32, #tpu.memory_space<hbm>> -> memref<100000x128xf32, #tpu.memory_space<hbm>>
    tpu.enqueue_indirect_dma source(%dma_start3A_11 : memref<100000x128xf32, #tpu.memory_space<hbm>>) target(%dma_start3A_5 : memref<128x128xf32, #tpu.memory_space<vmem>>) offsets(%dma_start3A_8 : memref<128xi32, #tpu.memory_space<vmem>>) semaphore(%arg8 : memref<!tpu.dma_semaphore, #tpu.memory_space<semaphore_mem>>)
    %dma_start3A_12 = arith.constant 0 : i32
    %dma_start3A_13 = arith.constant 128 : i32
    %dma_start3A_14 = arith.constant 0 : i32
    %dma_start3A_15 = tpu.memref_slice %arg6[%dma_start3A_13, %dma_start3A_14] : memref<256x128xf32, #tpu.memory_space<vmem>> -> memref<128x128xf32, #tpu.memory_space<vmem>>
    %dma_start3A_16 = arith.constant 128 : i32
    %dma_start3A_17 = tpu.memref_slice %arg5[%dma_start3A_12, %dma_start3A_16] : memref<20x512xi32, #tpu.memory_space<vmem>> -> memref<1x128xi32, #tpu.memory_space<vmem>>
    %dma_start3A_18 = tpu.memref_squeeze %dma_start3A_17 : memref<1x128xi32, #tpu.memory_space<vmem>> -> memref<128xi32, #tpu.memory_space<vmem>>
    %dma_start3A_19 = arith.constant 0 : i32
    %dma_start3A_20 = arith.constant 0 : i32
    %dma_start3A_21 = tpu.memref_slice %arg3[%dma_start3A_19, %dma_start3A_20] : memref<100000x128xf32, #tpu.memory_space<hbm>> -> memref<100000x128xf32, #tpu.memory_space<hbm>>
    tpu.enqueue_indirect_dma source(%dma_start3A_21 : memref<100000x128xf32, #tpu.memory_space<hbm>>) target(%dma_start3A_15 : memref<128x128xf32, #tpu.memory_space<vmem>>) offsets(%dma_start3A_18 : memref<128xi32, #tpu.memory_space<vmem>>) semaphore(%arg8 : memref<!tpu.dma_semaphore, #tpu.memory_space<semaphore_mem>>)
    %dma_wait3A = arith.constant 0 : i32
    %dma_wait3A_22 = arith.constant 0 : i32
    %dma_wait3A_23 = arith.constant 0 : i32
    %dma_wait3A_24 = tpu.memref_slice %arg4[%dma_wait3A_22, %dma_wait3A, %dma_wait3A_23] : memref<16384x20x128xf32, #tpu.memory_space<hbm>> -> memref<256x1x128xf32, #tpu.memory_space<hbm>>
    %dma_wait3A_25 = tpu.memref_squeeze %dma_wait3A_24 : memref<256x1x128xf32, #tpu.memory_space<hbm>> -> memref<256x128xf32, #tpu.memory_space<hbm>>
    %dma_wait3A_26 = arith.constant 0 : i32
    %dma_wait3A_27 = arith.constant 0 : i32
    %dma_wait3A_28 = tpu.memref_slice %arg4[%dma_wait3A_26, %dma_wait3A, %dma_wait3A_27] : memref<16384x20x128xf32, #tpu.memory_space<hbm>> -> memref<256x1x128xf32, #tpu.memory_space<hbm>>
    %dma_wait3A_29 = tpu.memref_squeeze %dma_wait3A_28 : memref<256x1x128xf32, #tpu.memory_space<hbm>> -> memref<256x128xf32, #tpu.memory_space<hbm>>
    tpu.wait_dma2 semaphore(%arg8 : memref<!tpu.dma_semaphore, #tpu.memory_space<semaphore_mem>>) src(%dma_wait3A_29 : memref<256x128xf32, #tpu.memory_space<hbm>>) dst(%arg6 : memref<256x128xf32, #tpu.memory_space<vmem>>)
    %mul3A_30 = arith.constant 512 : i32
    %mul3A_31 = arith.muli %add3A, %mul3A_30 : i32
    %dma_start3A_32 = arith.constant 0 : i32
    %dma_start3A_33 = arith.constant 0 : i32
    %dma_start3A_34 = tpu.memref_slice %arg4[%mul3A_31, %dma_start3A_32, %dma_start3A_33] : memref<16384x20x128xf32, #tpu.memory_space<hbm>> -> memref<256x1x128xf32, #tpu.memory_space<hbm>>
    %dma_start3A_35 = tpu.memref_squeeze %dma_start3A_34 : memref<256x1x128xf32, #tpu.memory_space<hbm>> -> memref<256x128xf32, #tpu.memory_space<hbm>>
    %dma_start3A_36 = arith.constant 0 : i32
    %dma_start3A_37 = tpu.memref_slice %arg4[%mul3A_31, %dma_start3A_32, %dma_start3A_36] : memref<16384x20x128xf32, #tpu.memory_space<hbm>> -> memref<256x1x128xf32, #tpu.memory_space<hbm>>
    %dma_start3A_38 = tpu.memref_squeeze %dma_start3A_37 : memref<256x1x128xf32, #tpu.memory_space<hbm>> -> memref<256x128xf32, #tpu.memory_space<hbm>>
    tpu.enqueue_dma source(%arg6 : memref<256x128xf32, #tpu.memory_space<vmem>>) target(%dma_start3A_38 : memref<256x128xf32, #tpu.memory_space<hbm>>) target_semaphore(%arg9 : memref<!tpu.dma_semaphore, #tpu.memory_space<semaphore_mem>>)
    %dma_start3A_39 = arith.constant 0 : i32
    %dma_start3A_40 = arith.constant 0 : i32
    %dma_start3A_41 = arith.constant 0 : i32
    %dma_start3A_42 = tpu.memref_slice %arg7[%dma_start3A_40, %dma_start3A_41] : memref<256x128xf32, #tpu.memory_space<vmem>> -> memref<128x128xf32, #tpu.memory_space<vmem>>
    %dma_start3A_43 = arith.constant 256 : i32
    %dma_start3A_44 = tpu.memref_slice %arg5[%dma_start3A_39, %dma_start3A_43] : memref<20x512xi32, #tpu.memory_space<vmem>> -> memref<1x128xi32, #tpu.memory_space<vmem>>
    %dma_start3A_45 = tpu.memref_squeeze %dma_start3A_44 : memref<1x128xi32, #tpu.memory_space<vmem>> -> memref<128xi32, #tpu.memory_space<vmem>>
    %dma_start3A_46 = arith.constant 0 : i32
    %dma_start3A_47 = arith.constant 0 : i32
    %dma_start3A_48 = tpu.memref_slice %arg3[%dma_start3A_46, %dma_start3A_47] : memref<100000x128xf32, #tpu.memory_space<hbm>> -> memref<100000x128xf32, #tpu.memory_space<hbm>>
    tpu.enqueue_indirect_dma source(%dma_start3A_48 : memref<100000x128xf32, #tpu.memory_space<hbm>>) target(%dma_start3A_42 : memref<128x128xf32, #tpu.memory_space<vmem>>) offsets(%dma_start3A_45 : memref<128xi32, #tpu.memory_space<vmem>>) semaphore(%arg8 : memref<!tpu.dma_semaphore, #tpu.memory_space<semaphore_mem>>)
    %dma_start3A_49 = arith.constant 0 : i32
    %dma_start3A_50 = arith.constant 128 : i32
    %dma_start3A_51 = arith.constant 0 : i32
    %dma_start3A_52 = tpu.memref_slice %arg7[%dma_start3A_50, %dma_start3A_51] : memref<256x128xf32, #tpu.memory_space<vmem>> -> memref<128x128xf32, #tpu.memory_space<vmem>>
    %dma_start3A_53 = arith.constant 384 : i32
    %dma_start3A_54 = tpu.memref_slice %arg5[%dma_start3A_49, %dma_start3A_53] : memref<20x512xi32, #tpu.memory_space<vmem>> -> memref<1x128xi32, #tpu.memory_space<vmem>>
    %dma_start3A_55 = tpu.memref_squeeze %dma_start3A_54 : memref<1x128xi32, #tpu.memory_space<vmem>> -> memref<128xi32, #tpu.memory_space<vmem>>
    %dma_start3A_56 = arith.constant 0 : i32
    %dma_start3A_57 = arith.constant 0 : i32
    %dma_start3A_58 = tpu.memref_slice %arg3[%dma_start3A_56, %dma_start3A_57] : memref<100000x128xf32, #tpu.memory_space<hbm>> -> memref<100000x128xf32, #tpu.memory_space<hbm>>
    tpu.enqueue_indirect_dma source(%dma_start3A_58 : memref<100000x128xf32, #tpu.memory_space<hbm>>) target(%dma_start3A_52 : memref<128x128xf32, #tpu.memory_space<vmem>>) offsets(%dma_start3A_55 : memref<128xi32, #tpu.memory_space<vmem>>) semaphore(%arg8 : memref<!tpu.dma_semaphore, #tpu.memory_space<semaphore_mem>>)
    %dma_wait3A_59 = arith.constant 0 : i32
    %dma_wait3A_60 = arith.constant 0 : i32
    %dma_wait3A_61 = arith.constant 0 : i32
    %dma_wait3A_62 = tpu.memref_slice %arg4[%dma_wait3A_60, %dma_wait3A_59, %dma_wait3A_61] : memref<16384x20x128xf32, #tpu.memory_space<hbm>> -> memref<256x1x128xf32, #tpu.memory_space<hbm>>
    %dma_wait3A_63 = tpu.memref_squeeze %dma_wait3A_62 : memref<256x1x128xf32, #tpu.memory_space<hbm>> -> memref<256x128xf32, #tpu.memory_space<hbm>>
    %dma_wait3A_64 = arith.constant 0 : i32
    %dma_wait3A_65 = arith.constant 0 : i32
    %dma_wait3A_66 = tpu.memref_slice %arg4[%dma_wait3A_64, %dma_wait3A_59, %dma_wait3A_65] : memref<16384x20x128xf32, #tpu.memory_space<hbm>> -> memref<256x1x128xf32, #tpu.memory_space<hbm>>
    %dma_wait3A_67 = tpu.memref_squeeze %dma_wait3A_66 : memref<256x1x128xf32, #tpu.memory_space<hbm>> -> memref<256x128xf32, #tpu.memory_space<hbm>>
    tpu.wait_dma2 semaphore(%arg8 : memref<!tpu.dma_semaphore, #tpu.memory_space<semaphore_mem>>) src(%dma_wait3A_67 : memref<256x128xf32, #tpu.memory_space<hbm>>) dst(%arg7 : memref<256x128xf32, #tpu.memory_space<vmem>>)
    %mul3A_68 = arith.constant 512 : i32
    %mul3A_69 = arith.muli %add3A, %mul3A_68 : i32
    %add3A_70 = arith.constant 256 : i32
    %add3A_71 = arith.addi %mul3A_69, %add3A_70 : i32
    %dma_start3A_72 = arith.constant 0 : i32
    %dma_start3A_73 = arith.constant 0 : i32
    %dma_start3A_74 = tpu.memref_slice %arg4[%add3A_71, %dma_start3A_72, %dma_start3A_73] : memref<16384x20x128xf32, #tpu.memory_space<hbm>> -> memref<256x1x128xf32, #tpu.memory_space<hbm>>
    %dma_start3A_75 = tpu.memref_squeeze %dma_start3A_74 : memref<256x1x128xf32, #tpu.memory_space<hbm>> -> memref<256x128xf32, #tpu.memory_space<hbm>>
    %dma_start3A_76 = arith.constant 0 : i32
    %dma_start3A_77 = tpu.memref_slice %arg4[%add3A_71, %dma_start3A_72, %dma_start3A_76] : memref<16384x20x128xf32, #tpu.memory_space<hbm>> -> memref<256x1x128xf32, #tpu.memory_space<hbm>>
    %dma_start3A_78 = tpu.memref_squeeze %dma_start3A_77 : memref<256x1x128xf32, #tpu.memory_space<hbm>> -> memref<256x128xf32, #tpu.memory_space<hbm>>
    tpu.enqueue_dma source(%arg7 : memref<256x128xf32, #tpu.memory_space<vmem>>) target(%dma_start3A_78 : memref<256x128xf32, #tpu.memory_space<hbm>>) target_semaphore(%arg10 : memref<!tpu.dma_semaphore, #tpu.memory_space<semaphore_mem>>)
    %scan3A = arith.constant 0 : i32
    %scan3A_79 = arith.constant 1 : i32
    %scan3A_80 = arith.constant 19 : i32
    %scan3A_81 = arith.addi %scan3A_79, %scan3A_80 : i32
    %scan3A_82 = arith.constant 1 : i32
    scf.for %scan3A_102 = %scan3A_79 to %scan3A_81 step %scan3A_82  : i32 {
      %dma_wait3A_103 = arith.constant 0 : i32
      %dma_wait3A_104 = arith.constant 0 : i32
      %dma_wait3A_105 = arith.constant 0 : i32
      %dma_wait3A_106 = tpu.memref_slice %arg4[%dma_wait3A_104, %dma_wait3A_103, %dma_wait3A_105] : memref<16384x20x128xf32, #tpu.memory_space<hbm>> -> memref<256x1x128xf32, #tpu.memory_space<hbm>>
      %dma_wait3A_107 = tpu.memref_squeeze %dma_wait3A_106 : memref<256x1x128xf32, #tpu.memory_space<hbm>> -> memref<256x128xf32, #tpu.memory_space<hbm>>
      %dma_wait3A_108 = arith.constant 0 : i32
      %dma_wait3A_109 = arith.constant 0 : i32
      %dma_wait3A_110 = tpu.memref_slice %arg4[%dma_wait3A_108, %dma_wait3A_103, %dma_wait3A_109] : memref<16384x20x128xf32, #tpu.memory_space<hbm>> -> memref<256x1x128xf32, #tpu.memory_space<hbm>>
      %dma_wait3A_111 = tpu.memref_squeeze %dma_wait3A_110 : memref<256x1x128xf32, #tpu.memory_space<hbm>> -> memref<256x128xf32, #tpu.memory_space<hbm>>
      tpu.wait_dma2 semaphore(%arg9 : memref<!tpu.dma_semaphore, #tpu.memory_space<semaphore_mem>>) src(%arg6 : memref<256x128xf32, #tpu.memory_space<vmem>>) dst(%dma_wait3A_111 : memref<256x128xf32, #tpu.memory_space<hbm>>)
      %dma_start3A_112 = arith.constant 0 : i32
      %dma_start3A_113 = arith.constant 0 : i32
      %dma_start3A_114 = tpu.memref_slice %arg6[%dma_start3A_112, %dma_start3A_113] : memref<256x128xf32, #tpu.memory_space<vmem>> -> memref<128x128xf32, #tpu.memory_space<vmem>>
      %dma_start3A_115 = arith.constant 0 : i32
      %dma_start3A_116 = tpu.memref_slice %arg5[%scan3A_102, %dma_start3A_115] : memref<20x512xi32, #tpu.memory_space<vmem>> -> memref<1x128xi32, #tpu.memory_space<vmem>>
      %dma_start3A_117 = tpu.memref_squeeze %dma_start3A_116 : memref<1x128xi32, #tpu.memory_space<vmem>> -> memref<128xi32, #tpu.memory_space<vmem>>
      %dma_start3A_118 = arith.constant 0 : i32
      %dma_start3A_119 = arith.constant 0 : i32
      %dma_start3A_120 = tpu.memref_slice %arg3[%dma_start3A_118, %dma_start3A_119] : memref<100000x128xf32, #tpu.memory_space<hbm>> -> memref<100000x128xf32, #tpu.memory_space<hbm>>
      tpu.enqueue_indirect_dma source(%dma_start3A_120 : memref<100000x128xf32, #tpu.memory_space<hbm>>) target(%dma_start3A_114 : memref<128x128xf32, #tpu.memory_space<vmem>>) offsets(%dma_start3A_117 : memref<128xi32, #tpu.memory_space<vmem>>) semaphore(%arg8 : memref<!tpu.dma_semaphore, #tpu.memory_space<semaphore_mem>>)
      %dma_start3A_121 = arith.constant 128 : i32
      %dma_start3A_122 = arith.constant 0 : i32
      %dma_start3A_123 = tpu.memref_slice %arg6[%dma_start3A_121, %dma_start3A_122] : memref<256x128xf32, #tpu.memory_space<vmem>> -> memref<128x128xf32, #tpu.memory_space<vmem>>
      %dma_start3A_124 = arith.constant 128 : i32
      %dma_start3A_125 = tpu.memref_slice %arg5[%scan3A_102, %dma_start3A_124] : memref<20x512xi32, #tpu.memory_space<vmem>> -> memref<1x128xi32, #tpu.memory_space<vmem>>
      %dma_start3A_126 = tpu.memref_squeeze %dma_start3A_125 : memref<1x128xi32, #tpu.memory_space<vmem>> -> memref<128xi32, #tpu.memory_space<vmem>>
      %dma_start3A_127 = arith.constant 0 : i32
      %dma_start3A_128 = arith.constant 0 : i32
      %dma_start3A_129 = tpu.memref_slice %arg3[%dma_start3A_127, %dma_start3A_128] : memref<100000x128xf32, #tpu.memory_space<hbm>> -> memref<100000x128xf32, #tpu.memory_space<hbm>>
      tpu.enqueue_indirect_dma source(%dma_start3A_129 : memref<100000x128xf32, #tpu.memory_space<hbm>>) target(%dma_start3A_123 : memref<128x128xf32, #tpu.memory_space<vmem>>) offsets(%dma_start3A_126 : memref<128xi32, #tpu.memory_space<vmem>>) semaphore(%arg8 : memref<!tpu.dma_semaphore, #tpu.memory_space<semaphore_mem>>)
      %dma_wait3A_130 = arith.constant 0 : i32
      %dma_wait3A_131 = arith.constant 0 : i32
      %dma_wait3A_132 = arith.constant 0 : i32
      %dma_wait3A_133 = tpu.memref_slice %arg4[%dma_wait3A_131, %dma_wait3A_130, %dma_wait3A_132] : memref<16384x20x128xf32, #tpu.memory_space<hbm>> -> memref<256x1x128xf32, #tpu.memory_space<hbm>>
      %dma_wait3A_134 = tpu.memref_squeeze %dma_wait3A_133 : memref<256x1x128xf32, #tpu.memory_space<hbm>> -> memref<256x128xf32, #tpu.memory_space<hbm>>
      %dma_wait3A_135 = arith.constant 0 : i32
      %dma_wait3A_136 = arith.constant 0 : i32
      %dma_wait3A_137 = tpu.memref_slice %arg4[%dma_wait3A_135, %dma_wait3A_130, %dma_wait3A_136] : memref<16384x20x128xf32, #tpu.memory_space<hbm>> -> memref<256x1x128xf32, #tpu.memory_space<hbm>>
      %dma_wait3A_138 = tpu.memref_squeeze %dma_wait3A_137 : memref<256x1x128xf32, #tpu.memory_space<hbm>> -> memref<256x128xf32, #tpu.memory_space<hbm>>
      tpu.wait_dma2 semaphore(%arg8 : memref<!tpu.dma_semaphore, #tpu.memory_space<semaphore_mem>>) src(%dma_wait3A_138 : memref<256x128xf32, #tpu.memory_space<hbm>>) dst(%arg6 : memref<256x128xf32, #tpu.memory_space<vmem>>)
      %mul3A_139 = arith.constant 512 : i32
      %mul3A_140 = arith.muli %add3A, %mul3A_139 : i32
      %dma_start3A_141 = arith.constant 0 : i32
      %dma_start3A_142 = tpu.memref_slice %arg4[%mul3A_140, %scan3A_102, %dma_start3A_141] : memref<16384x20x128xf32, #tpu.memory_space<hbm>> -> memref<256x1x128xf32, #tpu.memory_space<hbm>>
      %dma_start3A_143 = tpu.memref_squeeze %dma_start3A_142 : memref<256x1x128xf32, #tpu.memory_space<hbm>> -> memref<256x128xf32, #tpu.memory_space<hbm>>
      %dma_start3A_144 = arith.constant 0 : i32
      %dma_start3A_145 = tpu.memref_slice %arg4[%mul3A_140, %scan3A_102, %dma_start3A_144] : memref<16384x20x128xf32, #tpu.memory_space<hbm>> -> memref<256x1x128xf32, #tpu.memory_space<hbm>>
      %dma_start3A_146 = tpu.memref_squeeze %dma_start3A_145 : memref<256x1x128xf32, #tpu.memory_space<hbm>> -> memref<256x128xf32, #tpu.memory_space<hbm>>
      tpu.enqueue_dma source(%arg6 : memref<256x128xf32, #tpu.memory_space<vmem>>) target(%dma_start3A_146 : memref<256x128xf32, #tpu.memory_space<hbm>>) target_semaphore(%arg9 : memref<!tpu.dma_semaphore, #tpu.memory_space<semaphore_mem>>)
      %dma_wait3A_147 = arith.constant 0 : i32
      %dma_wait3A_148 = arith.constant 0 : i32
      %dma_wait3A_149 = arith.constant 0 : i32
      %dma_wait3A_150 = tpu.memref_slice %arg4[%dma_wait3A_148, %dma_wait3A_147, %dma_wait3A_149] : memref<16384x20x128xf32, #tpu.memory_space<hbm>> -> memref<256x1x128xf32, #tpu.memory_space<hbm>>
      %dma_wait3A_151 = tpu.memref_squeeze %dma_wait3A_150 : memref<256x1x128xf32, #tpu.memory_space<hbm>> -> memref<256x128xf32, #tpu.memory_space<hbm>>
      %dma_wait3A_152 = arith.constant 0 : i32
      %dma_wait3A_153 = arith.constant 0 : i32
      %dma_wait3A_154 = tpu.memref_slice %arg4[%dma_wait3A_152, %dma_wait3A_147, %dma_wait3A_153] : memref<16384x20x128xf32, #tpu.memory_space<hbm>> -> memref<256x1x128xf32, #tpu.memory_space<hbm>>
      %dma_wait3A_155 = tpu.memref_squeeze %dma_wait3A_154 : memref<256x1x128xf32, #tpu.memory_space<hbm>> -> memref<256x128xf32, #tpu.memory_space<hbm>>
      tpu.wait_dma2 semaphore(%arg10 : memref<!tpu.dma_semaphore, #tpu.memory_space<semaphore_mem>>) src(%arg7 : memref<256x128xf32, #tpu.memory_space<vmem>>) dst(%dma_wait3A_155 : memref<256x128xf32, #tpu.memory_space<hbm>>)
      %dma_start3A_156 = arith.constant 0 : i32
      %dma_start3A_157 = arith.constant 0 : i32
      %dma_start3A_158 = tpu.memref_slice %arg7[%dma_start3A_156, %dma_start3A_157] : memref<256x128xf32, #tpu.memory_space<vmem>> -> memref<128x128xf32, #tpu.memory_space<vmem>>
      %dma_start3A_159 = arith.constant 256 : i32
      %dma_start3A_160 = tpu.memref_slice %arg5[%scan3A_102, %dma_start3A_159] : memref<20x512xi32, #tpu.memory_space<vmem>> -> memref<1x128xi32, #tpu.memory_space<vmem>>
      %dma_start3A_161 = tpu.memref_squeeze %dma_start3A_160 : memref<1x128xi32, #tpu.memory_space<vmem>> -> memref<128xi32, #tpu.memory_space<vmem>>
      %dma_start3A_162 = arith.constant 0 : i32
      %dma_start3A_163 = arith.constant 0 : i32
      %dma_start3A_164 = tpu.memref_slice %arg3[%dma_start3A_162, %dma_start3A_163] : memref<100000x128xf32, #tpu.memory_space<hbm>> -> memref<100000x128xf32, #tpu.memory_space<hbm>>
      tpu.enqueue_indirect_dma source(%dma_start3A_164 : memref<100000x128xf32, #tpu.memory_space<hbm>>) target(%dma_start3A_158 : memref<128x128xf32, #tpu.memory_space<vmem>>) offsets(%dma_start3A_161 : memref<128xi32, #tpu.memory_space<vmem>>) semaphore(%arg8 : memref<!tpu.dma_semaphore, #tpu.memory_space<semaphore_mem>>)
      %dma_start3A_165 = arith.constant 128 : i32
      %dma_start3A_166 = arith.constant 0 : i32
      %dma_start3A_167 = tpu.memref_slice %arg7[%dma_start3A_165, %dma_start3A_166] : memref<256x128xf32, #tpu.memory_space<vmem>> -> memref<128x128xf32, #tpu.memory_space<vmem>>
      %dma_start3A_168 = arith.constant 384 : i32
      %dma_start3A_169 = tpu.memref_slice %arg5[%scan3A_102, %dma_start3A_168] : memref<20x512xi32, #tpu.memory_space<vmem>> -> memref<1x128xi32, #tpu.memory_space<vmem>>
      %dma_start3A_170 = tpu.memref_squeeze %dma_start3A_169 : memref<1x128xi32, #tpu.memory_space<vmem>> -> memref<128xi32, #tpu.memory_space<vmem>>
      %dma_start3A_171 = arith.constant 0 : i32
      %dma_start3A_172 = arith.constant 0 : i32
      %dma_start3A_173 = tpu.memref_slice %arg3[%dma_start3A_171, %dma_start3A_172] : memref<100000x128xf32, #tpu.memory_space<hbm>> -> memref<100000x128xf32, #tpu.memory_space<hbm>>
      tpu.enqueue_indirect_dma source(%dma_start3A_173 : memref<100000x128xf32, #tpu.memory_space<hbm>>) target(%dma_start3A_167 : memref<128x128xf32, #tpu.memory_space<vmem>>) offsets(%dma_start3A_170 : memref<128xi32, #tpu.memory_space<vmem>>) semaphore(%arg8 : memref<!tpu.dma_semaphore, #tpu.memory_space<semaphore_mem>>)
      %dma_wait3A_174 = arith.constant 0 : i32
      %dma_wait3A_175 = arith.constant 0 : i32
      %dma_wait3A_176 = arith.constant 0 : i32
      %dma_wait3A_177 = tpu.memref_slice %arg4[%dma_wait3A_175, %dma_wait3A_174, %dma_wait3A_176] : memref<16384x20x128xf32, #tpu.memory_space<hbm>> -> memref<256x1x128xf32, #tpu.memory_space<hbm>>
      %dma_wait3A_178 = tpu.memref_squeeze %dma_wait3A_177 : memref<256x1x128xf32, #tpu.memory_space<hbm>> -> memref<256x128xf32, #tpu.memory_space<hbm>>
      %dma_wait3A_179 = arith.constant 0 : i32
      %dma_wait3A_180 = arith.constant 0 : i32
      %dma_wait3A_181 = tpu.memref_slice %arg4[%dma_wait3A_179, %dma_wait3A_174, %dma_wait3A_180] : memref<16384x20x128xf32, #tpu.memory_space<hbm>> -> memref<256x1x128xf32, #tpu.memory_space<hbm>>
      %dma_wait3A_182 = tpu.memref_squeeze %dma_wait3A_181 : memref<256x1x128xf32, #tpu.memory_space<hbm>> -> memref<256x128xf32, #tpu.memory_space<hbm>>
      tpu.wait_dma2 semaphore(%arg8 : memref<!tpu.dma_semaphore, #tpu.memory_space<semaphore_mem>>) src(%dma_wait3A_182 : memref<256x128xf32, #tpu.memory_space<hbm>>) dst(%arg7 : memref<256x128xf32, #tpu.memory_space<vmem>>)
      %mul3A_183 = arith.constant 512 : i32
      %mul3A_184 = arith.muli %add3A, %mul3A_183 : i32
      %add3A_185 = arith.constant 256 : i32
      %add3A_186 = arith.addi %mul3A_184, %add3A_185 : i32
      %dma_start3A_187 = arith.constant 0 : i32
      %dma_start3A_188 = tpu.memref_slice %arg4[%add3A_186, %scan3A_102, %dma_start3A_187] : memref<16384x20x128xf32, #tpu.memory_space<hbm>> -> memref<256x1x128xf32, #tpu.memory_space<hbm>>
      %dma_start3A_189 = tpu.memref_squeeze %dma_start3A_188 : memref<256x1x128xf32, #tpu.memory_space<hbm>> -> memref<256x128xf32, #tpu.memory_space<hbm>>
      %dma_start3A_190 = arith.constant 0 : i32
      %dma_start3A_191 = tpu.memref_slice %arg4[%add3A_186, %scan3A_102, %dma_start3A_190] : memref<16384x20x128xf32, #tpu.memory_space<hbm>> -> memref<256x1x128xf32, #tpu.memory_space<hbm>>
      %dma_start3A_192 = tpu.memref_squeeze %dma_start3A_191 : memref<256x1x128xf32, #tpu.memory_space<hbm>> -> memref<256x128xf32, #tpu.memory_space<hbm>>
      tpu.enqueue_dma source(%arg7 : memref<256x128xf32, #tpu.memory_space<vmem>>) target(%dma_start3A_192 : memref<256x128xf32, #tpu.memory_space<hbm>>) target_semaphore(%arg10 : memref<!tpu.dma_semaphore, #tpu.memory_space<semaphore_mem>>)
    }
    %scan3A_83 = arith.constant 19 : i32
    %dma_wait3A_84 = arith.constant 0 : i32
    %dma_wait3A_85 = arith.constant 0 : i32
    %dma_wait3A_86 = arith.constant 0 : i32
    %dma_wait3A_87 = tpu.memref_slice %arg4[%dma_wait3A_85, %dma_wait3A_84, %dma_wait3A_86] : memref<16384x20x128xf32, #tpu.memory_space<hbm>> -> memref<256x1x128xf32, #tpu.memory_space<hbm>>
    %dma_wait3A_88 = tpu.memref_squeeze %dma_wait3A_87 : memref<256x1x128xf32, #tpu.memory_space<hbm>> -> memref<256x128xf32, #tpu.memory_space<hbm>>
    %dma_wait3A_89 = arith.constant 0 : i32
    %dma_wait3A_90 = arith.constant 0 : i32
    %dma_wait3A_91 = tpu.memref_slice %arg4[%dma_wait3A_89, %dma_wait3A_84, %dma_wait3A_90] : memref<16384x20x128xf32, #tpu.memory_space<hbm>> -> memref<256x1x128xf32, #tpu.memory_space<hbm>>
    %dma_wait3A_92 = tpu.memref_squeeze %dma_wait3A_91 : memref<256x1x128xf32, #tpu.memory_space<hbm>> -> memref<256x128xf32, #tpu.memory_space<hbm>>
    tpu.wait_dma2 semaphore(%arg9 : memref<!tpu.dma_semaphore, #tpu.memory_space<semaphore_mem>>) src(%arg6 : memref<256x128xf32, #tpu.memory_space<vmem>>) dst(%dma_wait3A_92 : memref<256x128xf32, #tpu.memory_space<hbm>>)
    %dma_wait3A_93 = arith.constant 0 : i32
    %dma_wait3A_94 = arith.constant 0 : i32
    %dma_wait3A_95 = arith.constant 0 : i32
    %dma_wait3A_96 = tpu.memref_slice %arg4[%dma_wait3A_94, %dma_wait3A_93, %dma_wait3A_95] : memref<16384x20x128xf32, #tpu.memory_space<hbm>> -> memref<256x1x128xf32, #tpu.memory_space<hbm>>
    %dma_wait3A_97 = tpu.memref_squeeze %dma_wait3A_96 : memref<256x1x128xf32, #tpu.memory_space<hbm>> -> memref<256x128xf32, #tpu.memory_space<hbm>>
    %dma_wait3A_98 = arith.constant 0 : i32
    %dma_wait3A_99 = arith.constant 0 : i32
    %dma_wait3A_100 = tpu.memref_slice %arg4[%dma_wait3A_98, %dma_wait3A_93, %dma_wait3A_99] : memref<16384x20x128xf32, #tpu.memory_space<hbm>> -> memref<256x1x128xf32, #tpu.memory_space<hbm>>
    %dma_wait3A_101 = tpu.memref_squeeze %dma_wait3A_100 : memref<256x1x128xf32, #tpu.memory_space<hbm>> -> memref<256x128xf32, #tpu.memory_space<hbm>>
    tpu.wait_dma2 semaphore(%arg10 : memref<!tpu.dma_semaphore, #tpu.memory_space<semaphore_mem>>) src(%arg7 : memref<256x128xf32, #tpu.memory_space<vmem>>) dst(%dma_wait3A_101 : memref<256x128xf32, #tpu.memory_space<hbm>>)
    return
  }
}

</mosaic_0001>

<sc_bundles>
// kernel: kernel.4.cloned.1.call-start
scs
__scs_entry_jumppad:
0x0: {  	(pc) =	sbr.rel $0x88, $3  }
0x1: {  	(tag) =	ssettag $0x0;
	lr =	simm.s32 $0x1  }
0x2: {  	[smem:$0x3F9C] =	sst lr;
	_ =	strace $0xD0000000  }
0x3: {  	_ = 	snop  }
0x4: {  	_ = 	snop  }
0x5: {  	_ = 	snop  }
0x6: {  	_ = 	snop  }
0x7: {  	_ = 	snop  }
__scs_overlays_trampoline_lowered:
0x8: {  	[smem:$0x3FAB] =	sst s0  }
0x9: {  	[smem:$0x3FAC] =	sst s1  }
0xa: {  	[smem:$0x3FAD] =	sst s2  }
0xb: {  	[smem:$0x3FAE] =	sst s3  }
0xc: {  	[smem:$0x3FAF] =	sst s4  }
0xd: {  	[smem:$0x3FB0] =	sst s5  }
0xe: {  	[smem:$0x3FB1] =	sst s6  }
0xf: {  	[smem:$0x3FB2] =	sst s7  }
0x10: {  	[smem:$0x3FB3] =	sst s8  }
0x11: {  	[smem:$0x3FB4] =	sst s9;
	s0 =	simm.s32 @!p0 $0x0  }
0x12: {  	s1 =	sld [smem:$0x3F9A];
	s0 =	simm.s32 @p0 $0x1  }
0x13: {  	[smem:$0x3FB5] =	sst s0;
	s0 =	simm.s32 @!p1 $0x0  }
0x14: {  	s2 =	sld [smem:$0x3F99];
	s0 =	simm.s32 @p1 $0x1  }
0x15: {  	[smem:$0x3FB6] =	sst s0;
	s0 =	simm.s32 @!p2 $0x0  }
0x16: {  	s3 =	sld [smem:$0x3FDB];
	s0 =	simm.s32 @p2 $0x1  }
0x17: {  	s4 =	simm.s32 $0x1BF5;
	[smem:$0x3FB8] =	sst s0  }
0x18: {  	s0 =	sld [smem:$0x3F9B];
	_ =	swait.ge [sflag:s4], $0x0  }
0x19: {  	s7 =	sld [smem:$0x3F9C]  }
0x1a: {  	s8 =	sadd.s32 $0xFFFFE003, lr  }
0x1b: {  	s9 =	sadd.s32 $0xFFFFFEF7, lr;
	s5 =	simm.s32 $0xFFFFFFFF;
	p2 =	slt.u32 s8, $0xFFFFF086  }
0x1c: {  	p1 =	slt.u32 s9, $0xF7A;
	s5 =	simm.s32 @!p2 $0x0  }
0x1d: {  	s5 =	simm.s32 @p1 $0x1;
	p0 =	seq.s32 s7, s2  }
0x1e: {  	s7 =	smul.u32 @!p0 $0xF7A, s2;
	p2 =	seq.s32 @!p0 s5, $0x0  }
0x1f: {  	s9 =	smul.u32 $0xF7A, s1;
	s8 =	simm.s32 @!p0 $0x1BF5;
	p2 =	por !p2, p0  }
0x20: {  	[sflag:s8] =	ssyncset.s32 @!p0 $0xFFFFF086;
	s6 =	sadd.s32 @!p0 s3, s7;
	s7 =	simm.s32 @!p0 $0x108  }
0x21: {  	s3 =	sadd.s32 s3, s9;
	s6 =	sadd.s32 @!p0 $0x88, s6;
	s7 =	simm.s32 @p2 $0x1082  }
0x22: {  	[simem:s7], [sflag:s8] =	dma.local @!p0 [hbm:s6], $0xF7A  }
0x23: {  	s9 =	sor.u32 $0xD0000000, s2;
	s6 =	simm.s32 $0x108;
	_ =	swait.ge @!p0 [sflag:s8], $0x0  }
0x24: {  	s3 =	sadd.s32 $0x88, s3;
	s6 =	simm.s32 @!p1 $0x1082;
	[sflag:s4] =	ssyncset.s32 $0xFFFFF086  }
0x25: {  	[simem:s6], [sflag:s4] =	dma.local [hbm:s3], $0xF7A  }
0x26: {  	[smem:$0x3F9C] =	sst s1;
	(tag) =	ssettag s2;
	_ =	strace s9  }
0x27: {  	s1 =	sld [smem:$0x3FAC]  }
0x28: {  	s2 =	sld [smem:$0x3FAD]  }
0x29: {  	s4 =	sld [smem:$0x3FAF]  }
0x2a: {  	p0 =	seq.s32 s5, $0x0;
	s5 =	sld [smem:$0x3FB0]  }
0x2b: {  	s6 =	sld [smem:$0x3FB1]  }
0x2c: {  	s7 =	sld [smem:$0x3FB2]  }
0x2d: {  	s3 =	simm.s32 $0x108;
	s8 =	sld [smem:$0x3FB3]  }
0x2e: {  	s3 =	simm.s32 @!p0 $0x1082;
	s9 =	sld [smem:$0x3FB4]  }
0x2f: {  	lr =	sadd.s32 s0, s3;
	s0 =	sld [smem:$0x3FAB]  }
0x30: {  	s3 =	sld [smem:$0x3FAE]  }
0x31: {  	[smem:$0x3FB7] =	sst s10  }
0x32: {  	s10 =	sld [smem:$0x3FB5];
	_ =	sdelay $0x3  }
0x33: {  	p0 =	seq.s32 s10, $0x1;
	s10 =	sld [smem:$0x3FB7];
	_ =	sdelay $0x3  }
0x34: {  	[smem:$0x3FB7] =	sst s10  }
0x35: {  	s10 =	sld [smem:$0x3FB6];
	_ =	sdelay $0x3  }
0x36: {  	p1 =	seq.s32 s10, $0x1;
	s10 =	sld [smem:$0x3FB7];
	_ =	sdelay $0x3  }
0x37: {  	[smem:$0x3FB7] =	sst s10  }
0x38: {  	s10 =	sld [smem:$0x3FB8]  }
0x39: {  	_ = 	snop;
	(pc) =	sbr.ind lr, $3  }
0x3a: {  	_ = 	snop  }
0x3b: {  	_ = 	snop  }
0x3c: {  	p2 =	seq.s32 s10, $0x1;
	s10 =	sld [smem:$0x3FB7]  }
0x3d: {  	_ =	shalt  }
0x3e: {  	_ =	shalt  }
0x3f: {  	_ =	shalt  }
0x40: {  	_ =	shalt  }
0x41: {  	_ =	shalt  }
0x42: {  	_ =	shalt  }
0x43: {  	_ =	shalt  }
0x44: {  	_ =	shalt  }
0x45: {  	_ =	shalt  }
0x46: {  	_ =	shalt  }
0x47: {  	_ =	shalt  }
0x48: {  	_ =	shalt  }
0x49: {  	_ =	shalt  }
0x4a: {  	_ =	shalt  }
0x4b: {  	_ =	shalt  }
0x4c: {  	_ =	shalt  }
0x4d: {  	_ =	shalt  }
0x4e: {  	_ =	shalt  }
0x4f: {  	_ =	shalt  }
0x50: {  	_ =	shalt  }
0x51: {  	_ =	shalt  }
0x52: {  	_ =	shalt  }
0x53: {  	_ =	shalt  }
0x54: {  	_ =	shalt  }
0x55: {  	_ =	shalt  }
0x56: {  	_ =	shalt  }
0x57: {  	_ =	shalt  }
0x58: {  	_ =	shalt  }
0x59: {  	_ =	shalt  }
0x5a: {  	_ =	shalt  }
0x5b: {  	_ =	shalt  }
0x5c: {  	_ =	shalt  }
0x5d: {  	_ =	shalt  }
0x5e: {  	_ =	shalt  }
0x5f: {  	_ =	shalt  }
0x60: {  	_ =	shalt  }
0x61: {  	_ =	shalt  }
0x62: {  	_ =	shalt  }
0x63: {  	_ =	shalt  }
0x64: {  	_ =	shalt  }
0x65: {  	_ =	shalt  }
0x66: {  	_ =	shalt  }
0x67: {  	_ =	shalt  }
0x68: {  	_ =	shalt  }
0x69: {  	_ =	shalt  }
0x6a: {  	_ =	shalt  }
0x6b: {  	_ =	shalt  }
0x6c: {  	_ =	shalt  }
0x6d: {  	_ =	shalt  }
0x6e: {  	_ =	shalt  }
0x6f: {  	_ =	shalt  }
0x70: {  	_ =	shalt  }
0x71: {  	_ =	shalt  }
0x72: {  	_ =	shalt  }
0x73: {  	_ =	shalt  }
0x74: {  	_ =	shalt  }
0x75: {  	_ =	shalt  }
0x76: {  	_ =	shalt  }
0x77: {  	_ =	shalt  }
0x78: {  	_ =	shalt  }
0x79: {  	_ =	shalt  }
0x7a: {  	_ =	shalt  }
0x7b: {  	_ =	shalt  }
0x7c: {  	_ =	shalt  }
0x7d: {  	_ =	shalt  }
0x7e: {  	_ =	shalt  }
0x7f: {  	_ =	shalt  }
0x80: {  	_ =	shalt  }
0x81: {  	_ =	shalt  }
0x82: {  	_ =	shalt  }
0x83: {  	_ =	shalt  }
0x84: {  	_ =	shalt  }
0x85: {  	_ =	shalt  }
0x86: {  	_ =	shalt  }
0x87: {  	_ =	shalt  }
.Lfunc_end0:
.L_simem_size_0:
called_computation_lowered:
.L_overlay_start_0:
0x88: {  	s2 =	sld [smem:$0x3FD9]  }
0x89: {  	s3 =	sld [smem:$0x3FFE];
	_ =	sdelay $0x1  }
0x8a: {  	s1 =	srdreg.scid  }
0x8b: {  	s0 =	sand.u32 $0x1, s1  }
0x8c: {  	s16 =	sshll.u32 s0, $0xA;
	s2 =	sadd.s32 s3, s2  }
0x8d: {  	s2 =	sadd.s32 s2, s16  }
0x8e: {  	[smem:$0x3FC3] =	sst s2  }
0x8f: {  	_ = 	snop  }
0x90: {  	s2 =	sld [smem:$0x3FC9]  }
0x91: {  	s6 =	sld [smem:$0x3FD0]  }
0x92: {  	s17 =	sld [smem:$0x3FC8]  }
0x93: {  	s4 =	sld [smem:$0x3FC6]  }
0x94: {  	s8 =	simm.s32 $0xB;
	s7 =	simm.s32 $0x10;
	s5 =	sld [smem:$0x3FC5]  }
0x95: {  	[smem:s7], [sflag:s8] =	dma.local [hbm:s6], $0x1  }
0x96: {  	_ =	swait.eq [sflag:s8], $0x1  }
0x97: {  	[sflag:s8] =	ssyncset.done $0x0  }
0x98: {  	s18 =	sld [smem:$0x10];
	[sflag:s8] =	ssyncadd.s32 $0xFFFFFFFF  }
0x99: {  	s19 =	sld [smem:$0x11];
	(tm) =	ssettm $0x1  }
0x9a: {  	s20 =	sld [smem:$0x3FFB];
	_ =	sdelay $0x3  }
0x9b: {  	_ =	strace s20  }
0x9c: {  	s6 =	sld [smem:$0x3FFC];
	_ =	sdelay $0x3  }
0x9d: {  	_ =	strace s6  }
0x9e: {  	s6 =	sld [smem:$0x3FFD];
	_ =	sdelay $0x3  }
0x9f: {  	_ =	strace s6  }
0xa0: {  	_ =	strace $0x8FFFFFFF  }
0xa1: {  	s21 =	sld [smem:$0x3FDB];
	_ =	sdelay $0x1  }
0xa2: {  	s9 =	simm.s32 $_scs_section_size  }
0xa3: {  	s10 =	simm.s32 $_size__tile_overlayer_lowered;
	s11 =	simm.s32 $_tile_overlayer_lowered  }
0xa4: {  	s12 =	simm.s32 $0x1BFF;
	s22 =	sshll.u32 s11, $0x1;
	s9 =	sadd.s32 s9, s21  }
0xa5: {  	s23 =	simm.s32 $0x0;
	s10 =	sshll.u32 s10, $0x1;
	s11 =	sadd.s32 s22, s9  }
0xa6: {  	[timem:s23], [sflag:s12] =	dma.local [hbm:s11], s10  }
0xa7: {  	_ =	swait.ge [sflag:s12], s10  }
0xa8: {  	s10 =	ssub.s32 $0x0, s10;
	[sflag:s12] =	ssyncset.done $0x0  }
0xa9: {  	[sflag:s12] =	ssyncadd.s32 s10;
	_ =	sdelay $0x1  }
0xaa: {  	s24 =	simm.s32 $0x1B8B  }
0xab: {  	_ =	swait.ge [sflag:s24], $0x1  }
0xac: {  	[sflag:s24] =	ssyncset.done $0x0  }
0xad: {  	[sflag:s24] =	ssyncadd.s32 $0xFFFFFFFF  }
0xae: {  	s10 =	sld [smem:$0x0]  }
0xaf: {  	s11 =	sand.u32 $0xFFFFFFFE, s1  }
0xb0: {  	p0 =	sne.s32 s1, s11  }
0xb1: {  	s11 =	sshll.u32 @p0 s11, $0xE  }
0xb2: {  	s11 =	sadd.s32 @p0 $0x11B8D, s11;
	s12 =	sshll.u32 @p0 s10, $0x11  }
0xb3: {  	s11 =	sor.u32 @p0 s12, s11  }
0xb4: {  	[sflag:s11] =	ssyncadd.remote.s32 @p0 $0x1;
	_ =	sdelay $0x1  }
0xb5: {  	s11 =	simm.s32 @p0 $0x1B8D  }
0xb6: {  	_ =	swait.eq @p0 [sflag:s11], $0x1  }
0xb7: {  	[sflag:s11] =	ssyncadd.s32 @p0 $0xFFFFFFFF  }
0xb8: {  	s12 =	sshll.u32 @!p0 s1, $0xE  }
0xb9: {  	s12 =	sor.u32 @!p0 $0x4000, s12;
	s11 =	simm.s32 @!p0 $0x1B8D  }
0xba: {  	s10 =	sshll.u32 @!p0 s10, $0x11;
	s12 =	sadd.s32 @!p0 $0x11B8D, s12;
	_ =	swait.eq @!p0 [sflag:s11], $0x1  }
0xbb: {  	s10 =	sor.u32 @!p0 s10, s12;
	[sflag:s11] =	ssyncadd.s32 @!p0 $0xFFFFFFFF  }
0xbc: {  	s25 =	simm.s32 $0x1B8E;
	[sflag:s10] =	ssyncadd.remote.s32 @!p0 $0x1  }
0xbd: {  	s26 =	simm.s32 $execute0_lowered;
	[smem:$0x3FD2] =	sst s25  }
0xbe: {  	s10 =	sshll.u32 s26, $0x1;
	_ =	strace $0x80000049;
	[dreg:$0x1] =	wrdreg $0xFFFFFFFF  }
0xbf: {  	s28 =	simm.s32 $_size_execute0_lowered;
	s9 =	sadd.s32 s9, s10;
	[dreg:$0x0] =	wrdreg $0x0  }
0xc0: {  	s10 =	sshll.u32 s28, $0x1;
	[dreg:$0x2] =	wrdreg s9  }
0xc1: {  	[dreg:$0x3] =	wrdreg s10  }
0xc2: {  	[dreg:$0x4] =	wrdreg $0xC0  }
0xc3: {  	_ =	task [dreg:s23], $0x5FFFF  }
0xc4: {  	[dreg:$0x1] =	wrdreg $0xFFFFFFFF  }
0xc5: {  	[dreg:$0x0] =	wrdreg $0x60  }
0xc6: {  	[dreg:$0x2] =	wrdreg s2  }
0xc7: {  	[dreg:$0x3] =	wrdreg s17  }
0xc8: {  	[dreg:$0x4] =	wrdreg s4  }
0xc9: {  	[dreg:$0x5] =	wrdreg s5  }
0xca: {  	[dreg:$0x6] =	wrdreg s18  }
0xcb: {  	[dreg:$0x7] =	wrdreg s19  }
0xcc: {  	[dreg:$0x8] =	wrdreg $0x9  }
0xcd: {  	_ =	task.clear_ibuf [dreg:s23], $0x9FFFF;
	_ =	strace $0x90000049  }
0xce: {  	s29 =	simm.s32 $0x9;
	_ =	strace $0x8000004B  }
0xcf: {  	_ =	swait.ge [sflag:s29], $0x1  }
0xd0: {  	[sflag:s29] =	ssyncadd.s32 $0xFFFFFFFF  }
0xd1: {  	_ =	strace $0x9000004B  }
0xd2: {  	_ =	sfence  }
0xd3: {  	s30 =	sld [smem:$0x0];
	_ =	sdelay $0x2  }
0xd4: {  	s31 =	sshll.u32 s1, $0xD;
	s1 =	sshrl.u32 s1, $0x2  }
0xd5: {  	s3 =	sand.u32 $0x4000, s31;
	s1 =	sadd.s32 s1, s30  }
0xd6: {  	s0 =	sor.u32 s3, s0;
	s1 =	sshll.u32 s1, $0x11  }
0xd7: {  	s0 =	sor.u32 s1, s0  }
0xd8: {  	s0 =	sadd.s32 $0x8F2B, s0  }
0xd9: {  	[sflag:s0] =	ssyncadd.remote.s32 $0x1  }
0xda: {  	_ =	sfence.sel $0xFFFF  }
0xdb: {  	[dreg:$0x0] =	wrdreg $0xFFFFFFFF;
	(pc) =	sbr.abs _section_cstart, $3  }
0xdc: {  	[dreg:$0x1] =	wrdreg $0xFFFFFFFF  }
0xdd: {  	_ =	task.clear_ibuf [dreg:s23], $0x2FFFF;
	_ =	strace $0x9FFFFFFF  }
0xde: {  	(tm) =	ssettm $0x7FFFFFFF  }
0xdf: {  	_ =	shalt  }
tec
execute0_lowered:
.L_overlay_start_1:
0x0: {  	(tag) =	ssettag $0x1  }
0x1: {  	s5 =	rddreg [dreg:$0x0]  }
0x2: {  	s7 =	rddreg [dreg:$0x1]  }
0x3: {  	s1 =	rddreg [dreg:$0x2]  }
0x4: {  	s3 =	rddreg [dreg:$0x3]  }
0x5: {  	s18 =	rddreg [dreg:$0x4]  }
0x6: {  	s25 =	rddreg [dreg:$0x5];
	s4 =	srdreg.scid  }
0x7: {  	s0 =	rddreg [dreg:$0x6];
	s2 =	stileid.u32;
	s26 =	sand.u32 $0x1, s4  }
0x8: {  	s4 =	simm.s32 $0x0;
	s6 =	sshll.u32 s2, $0x7;
	s8 =	sshll.u32 s26, $0x6  }
0x9: {  	[smem:$0x7FF] =	sst s4;
	s8 =	sor.u32 s8, s6  }
0xa: {  	_ =	strace $0x8000004A;
	s6 =	simm.s32 $0x4;
	s5 =	sadd.s32 s5, s8  }
0xb: {  	[tilespmem:s4], [sflag:$0x4] =	stream.linear.gather [hbm4b:s5+s4], $0x200, $0x38;
	[tilespmem:$0x10400] =	vst v63  }
0xc: {  	_ =	swait.ge [sflag:s6], $0x200  }
0xd: {  	[sflag:s6] =	ssyncset.done $0x0  }
0xe: {  	s7 =	sadd.s32 s7, s8;
	s8 =	simm.s32 $0x200;
	[sflag:s6] =	ssyncadd.s32 $0xFFFFFE00  }
0xf: {  	[tilespmem:s8], [sflag:$0x4] =	stream.linear.gather [hbm4b:s7+s4], $0x200, $0x38;
	[tilespmem:$0x10400] =	vst v63  }
0x10: {  	_ =	swait.ge [sflag:s6], $0x200  }
0x11: {  	[sflag:s6] =	ssyncset.done $0x0  }
0x12: {  	s9 =	simm.s32 $0x80;
	s10 =	simm.s32 $0x400;
	[sflag:s6] =	ssyncadd.s32 $0xFFFFFE00  }
0x13: {  	[tilespmem:s10], [sflag:$0x1] =	stream.indirect.gather [hbm4b:s1+s9], $0x80, s4, s9, $0xb8;
	[tilespmem:$0x10400] =	vst v63  }
0x14: {  	s11 =	simm.s32 $0x4400;
	s12 =	simm.s32 $0x1  }
0x15: {  	[tilespmem:s11], [sflag:$0x1] =	stream.indirect.gather [hbm4b:s1+s9], $0x80, s9, s9, $0xb8;
	[tilespmem:$0x10400] =	vst v63  }
0x16: {  	s13 =	sshll.u32 s2, $0xE;
	s14 =	sshll.u32 s26, $0xD;
	_ =	swait.ge [sflag:s12], $0x8000  }
0x17: {  	s21 =	sor.u32 s14, s13;
	[sflag:s12] =	ssyncset.done $0x0  }
0x18: {  	s13 =	sadd.s32 s18, s21;
	[sflag:s12] =	ssyncadd.s32 $0xFFFF8000  }
0x19: {  	[hbm4b:s13+s4] =	stream.linear.scatter [tilespmem:s10], [sflag:$0x2], $0x8000, $0x38;
	[tilespmem:$0x10400] =	vst v63  }
0x1a: {  	s15 =	simm.s32 $0x8400;
	s14 =	simm.s32 $0x100  }
0x1b: {  	[tilespmem:s15], [sflag:$0x1] =	stream.indirect.gather [hbm4b:s1+s9], $0x80, s14, s9, $0xb8;
	[tilespmem:$0x10400] =	vst v63  }
0x1c: {  	s16 =	simm.s32 $0x180;
	s17 =	simm.s32 $0xC400  }
0x1d: {  	[tilespmem:s17], [sflag:$0x1] =	stream.indirect.gather [hbm4b:s1+s9], $0x80, s16, s9, $0xb8;
	[tilespmem:$0x10400] =	vst v63  }
0x1e: {  	_ =	swait.ge [sflag:s12], $0x8000  }
0x1f: {  	s28 =	sor.u32 $0x1000, s21;
	[sflag:s12] =	ssyncset.done $0x0  }
0x20: {  	s19 =	simm.s32 $0x2;
	s18 =	sadd.s32 s18, s28;
	[sflag:s12] =	ssyncadd.s32 $0xFFFF8000  }
0x21: {  	[hbm4b:s18+s4] =	stream.linear.scatter [tilespmem:s15], [sflag:$0x3], $0x8000, $0x38;
	[tilespmem:$0x10400] =	vst v63  }
0x22: {  	_ =	swait.ge [sflag:s19], $0x8000  }
0x23: {  	[sflag:s19] =	ssyncset.done $0x0  }
0x24: {  	[sflag:s19] =	ssyncadd.s32 $0xFFFF8000  }
0x25: {  	[tilespmem:s10], [sflag:$0x1] =	stream.indirect.gather [hbm4b:s3+s9], $0x80, s8, s9, $0xb8;
	[tilespmem:$0x10400] =	vst v63  }
0x26: {  	s20 =	simm.s32 $0x280  }
0x27: {  	[tilespmem:s11], [sflag:$0x1] =	stream.indirect.gather [hbm4b:s3+s9], $0x80, s20, s9, $0xb8;
	[tilespmem:$0x10400] =	vst v63  }
0x28: {  	_ =	swait.ge [sflag:s12], $0x8000  }
0x29: {  	[sflag:s12] =	ssyncset.done $0x0  }
0x2a: {  	s22 =	sadd.s32 s25, s21;
	s21 =	simm.s32 $0x3;
	[sflag:s12] =	ssyncadd.s32 $0xFFFF8000  }
0x2b: {  	[hbm4b:s22+s4] =	stream.linear.scatter [tilespmem:s10], [sflag:$0x2], $0x8000, $0x38;
	[tilespmem:$0x10400] =	vst v63  }
0x2c: {  	_ =	swait.ge [sflag:s21], $0x8000  }
0x2d: {  	[sflag:s21] =	ssyncset.done $0x0  }
0x2e: {  	s23 =	simm.s32 $0x300;
	s26 =	ssub.s32 $0x2, s26;
	[sflag:s21] =	ssyncadd.s32 $0xFFFF8000  }
0x2f: {  	[tilespmem:s15], [sflag:$0x1] =	stream.indirect.gather [hbm4b:s3+s9], $0x80, s23, s9, $0xb8;
	[tilespmem:$0x10400] =	vst v63  }
0x30: {  	s24 =	simm.s32 $0x380;
	s31 =	sshrl.u32 s26, $0x1  }
0x31: {  	[tilespmem:s17], [sflag:$0x1] =	stream.indirect.gather [hbm4b:s3+s9], $0x80, s24, s9, $0xb8;
	[tilespmem:$0x10400] =	vst v63  }
0x32: {  	s26 =	ssub.s32 s26, s31;
	_ =	swait.ge [sflag:s12], $0x8000  }
0x33: {  	s26 =	smax.u32 s26, $0x1;
	[sflag:s12] =	ssyncset.done $0x0  }
0x34: {  	s25 =	sadd.s32 s25, s28;
	p0 =	sne.s32 s26, $0x1;
	[sflag:s12] =	ssyncadd.s32 $0xFFFF8000  }
0x35: {  	[hbm4b:s25+s4] =	stream.linear.scatter [tilespmem:s15], [sflag:$0x3], $0x8000, $0x38;
	[tilespmem:$0x10400] =	vst v63  }
.Ltmp0:
0x36: {  	_ =	swait.ge [sflag:s19], $0x8000;
	(pc) =	sbr.rel @!p0 .LBB2_2-.Ltmp0, $4  }
0x37: {  	[sflag:s19] =	ssyncset.done $0x0  }
0x38: {  	[sflag:s19] =	ssyncadd.s32 $0xFFFF8000  }
0x39: {  	_ =	swait.ge [sflag:s21], $0x8000  }
0x3a: {  	s26 =	sadd.s32 $0xFFFFFFFF, s26;
	[sflag:s21] =	ssyncset.done $0x0  }
.LBB2_1:
0x3b: {  	p0 =	sne.s32 s26, $0x1;
	s26 =	sadd.s32 $0xFFFFFFFF, s26;
	[sflag:s21] =	ssyncadd.s32 $0xFFFF8000  }
0x3c: {  	[tilespmem:s4], [sflag:$0x4] =	stream.linear.gather [hbm4b:s5+s4], $0x200, $0x38;
	[tilespmem:$0x10400] =	vst v63  }
0x3d: {  	_ =	swait.ge [sflag:s6], $0x200  }
0x3e: {  	[sflag:s6] =	ssyncset.done $0x0  }
0x3f: {  	[sflag:s6] =	ssyncadd.s32 $0xFFFFFE00  }
0x40: {  	[tilespmem:s8], [sflag:$0x4] =	stream.linear.gather [hbm4b:s7+s4], $0x200, $0x38;
	[tilespmem:$0x10400] =	vst v63  }
0x41: {  	_ =	swait.ge [sflag:s6], $0x200  }
0x42: {  	[sflag:s6] =	ssyncset.done $0x0  }
0x43: {  	[sflag:s6] =	ssyncadd.s32 $0xFFFFFE00  }
0x44: {  	[tilespmem:s10], [sflag:$0x1] =	stream.indirect.gather [hbm4b:s1+s9], $0x80, s4, s9, $0xb8;
	[tilespmem:$0x10400] =	vst v63  }
0x45: {  	_ = 	snop  }
0x46: {  	[tilespmem:s11], [sflag:$0x1] =	stream.indirect.gather [hbm4b:s1+s9], $0x80, s9, s9, $0xb8;
	[tilespmem:$0x10400] =	vst v63  }
0x47: {  	_ =	swait.ge [sflag:s12], $0x8000  }
0x48: {  	[sflag:s12] =	ssyncset.done $0x0  }
0x49: {  	[sflag:s12] =	ssyncadd.s32 $0xFFFF8000  }
0x4a: {  	[hbm4b:s13+s4] =	stream.linear.scatter [tilespmem:s10], [sflag:$0x2], $0x8000, $0x38;
	[tilespmem:$0x10400] =	vst v63  }
0x4b: {  	_ = 	snop  }
0x4c: {  	[tilespmem:s15], [sflag:$0x1] =	stream.indirect.gather [hbm4b:s1+s9], $0x80, s14, s9, $0xb8;
	[tilespmem:$0x10400] =	vst v63  }
0x4d: {  	_ = 	snop  }
0x4e: {  	[tilespmem:s17], [sflag:$0x1] =	stream.indirect.gather [hbm4b:s1+s9], $0x80, s16, s9, $0xb8;
	[tilespmem:$0x10400] =	vst v63  }
0x4f: {  	_ =	swait.ge [sflag:s12], $0x8000  }
0x50: {  	[sflag:s12] =	ssyncset.done $0x0  }
0x51: {  	[sflag:s12] =	ssyncadd.s32 $0xFFFF8000  }
0x52: {  	[hbm4b:s18+s4] =	stream.linear.scatter [tilespmem:s15], [sflag:$0x3], $0x8000, $0x38;
	[tilespmem:$0x10400] =	vst v63  }
0x53: {  	_ =	swait.ge [sflag:s19], $0x8000  }
0x54: {  	[sflag:s19] =	ssyncset.done $0x0  }
0x55: {  	[sflag:s19] =	ssyncadd.s32 $0xFFFF8000  }
0x56: {  	[tilespmem:s10], [sflag:$0x1] =	stream.indirect.gather [hbm4b:s3+s9], $0x80, s8, s9, $0xb8;
	[tilespmem:$0x10400] =	vst v63  }
0x57: {  	_ = 	snop  }
0x58: {  	[tilespmem:s11], [sflag:$0x1] =	stream.indirect.gather [hbm4b:s3+s9], $0x80, s20, s9, $0xb8;
	[tilespmem:$0x10400] =	vst v63  }
0x59: {  	_ =	swait.ge [sflag:s12], $0x8000  }
0x5a: {  	[sflag:s12] =	ssyncset.done $0x0  }
0x5b: {  	[sflag:s12] =	ssyncadd.s32 $0xFFFF8000  }
0x5c: {  	[hbm4b:s22+s4] =	stream.linear.scatter [tilespmem:s10], [sflag:$0x2], $0x8000, $0x38;
	[tilespmem:$0x10400] =	vst v63  }
0x5d: {  	_ =	swait.ge [sflag:s21], $0x8000  }
0x5e: {  	[sflag:s21] =	ssyncset.done $0x0  }
0x5f: {  	[sflag:s21] =	ssyncadd.s32 $0xFFFF8000  }
0x60: {  	[tilespmem:s15], [sflag:$0x1] =	stream.indirect.gather [hbm4b:s3+s9], $0x80, s23, s9, $0xb8;
	[tilespmem:$0x10400] =	vst v63  }
0x61: {  	_ = 	snop  }
0x62: {  	[tilespmem:s17], [sflag:$0x1] =	stream.indirect.gather [hbm4b:s3+s9], $0x80, s24, s9, $0xb8;
	[tilespmem:$0x10400] =	vst v63  }
0x63: {  	_ =	swait.ge [sflag:s12], $0x8000  }
0x64: {  	[sflag:s12] =	ssyncset.done $0x0  }
0x65: {  	[sflag:s12] =	ssyncadd.s32 $0xFFFF8000  }
0x66: {  	[hbm4b:s25+s4] =	stream.linear.scatter [tilespmem:s15], [sflag:$0x3], $0x8000, $0x38;
	[tilespmem:$0x10400] =	vst v63  }
.Ltmp1:
0x67: {  	_ =	swait.ge [sflag:s19], $0x8000;
	(pc) =	sbr.rel @p0 .LBB2_1-.Ltmp1, $4  }
0x68: {  	[sflag:s19] =	ssyncset.done $0x0  }
0x69: {  	[sflag:s19] =	ssyncadd.s32 $0xFFFF8000  }
0x6a: {  	_ =	swait.ge [sflag:s21], $0x8000  }
0x6b: {  	[sflag:s21] =	ssyncset.done $0x0  }
.LBB2_2:
0x6c: {  	[sflag:s21] =	ssyncadd.s32 $0xFFFF8000  }
0x6d: {  	_ =	sfence.sel $0x180000  }
0x6e: {  	[bflag:$0x0] =	sbarrier.arrive $0xFFFF  }
0x6f: {  	p0 =	sne.s32 s2, $0x0;
	_ =	strace $0x9000004A  }
0x70: {  	s0 =	sadd.s32 @!p0 $0x100000, s0;
	[bflag:$0x2] =	sbarrier.arrive $0xFFFF  }
0x71: {  	[sflag:s0] =	ssyncadd.tile.s32 @!p0 $0x1;
	_ =	shalt  }
.Lfunc_end2:
_tile_overlayer_lowered:
.L_overlay_start_2:
0x72: {  	(tag) =	ssettag $0x2  }
0x73: {  	s0 =	rddreg [dreg:$0x0];
	s2 =	stileid.u32  }
0x74: {  	s1 =	rddreg [dreg:$0x1];
	p0 =	sne.s32 s2, $0x0  }
0x75: {  	s3 =	rddreg [dreg:$0x2];
	[bflag:$0x3] =	sbarrier.arrive $0xFFFF;
	s2 =	simm.s32 @!p0 $0x1C04  }
0x76: {  	[timem:s3], [sflag:s2] =	dma.local @!p0 [hbm:s0], s1  }
0x77: {  	s0 =	simm.s32 @!p0 $0x4  }
0x78: {  	_ =	swait.ge @!p0 [sflag:s0], s1  }
0x79: {  	s1 =	ssub.s32 @!p0 $0x0, s1;
	[sflag:s0] =	ssyncset.done @!p0 $0x0  }
0x7a: {  	[sflag:s0] =	ssyncadd.s32 @!p0 s1  }
0x7b: {  	[bflag:$0x3] =	sbarrier.arrive $0xFFFF  }
0x7c: {  	_ =	shalt  }

// kernel: kernel.7.cloned.1.call-start
scs
__scs_entry_jumppad:
0x0: {  	(pc) =	sbr.rel $0x88, $3  }
0x1: {  	(tag) =	ssettag $0x0;
	lr =	simm.s32 $0x1  }
0x2: {  	[smem:$0x3F9C] =	sst lr;
	_ =	strace $0xD0000000  }
0x3: {  	_ = 	snop  }
0x4: {  	_ = 	snop  }
0x5: {  	_ = 	snop  }
0x6: {  	_ = 	snop  }
0x7: {  	_ = 	snop  }
__scs_overlays_trampoline_lowered:
0x8: {  	[smem:$0x3FAB] =	sst s0  }
0x9: {  	[smem:$0x3FAC] =	sst s1  }
0xa: {  	[smem:$0x3FAD] =	sst s2  }
0xb: {  	[smem:$0x3FAE] =	sst s3  }
0xc: {  	[smem:$0x3FAF] =	sst s4  }
0xd: {  	[smem:$0x3FB0] =	sst s5  }
0xe: {  	[smem:$0x3FB1] =	sst s6  }
0xf: {  	[smem:$0x3FB2] =	sst s7  }
0x10: {  	[smem:$0x3FB3] =	sst s8  }
0x11: {  	[smem:$0x3FB4] =	sst s9;
	s0 =	simm.s32 @!p0 $0x0  }
0x12: {  	s1 =	sld [smem:$0x3F9A];
	s0 =	simm.s32 @p0 $0x1  }
0x13: {  	[smem:$0x3FB5] =	sst s0;
	s0 =	simm.s32 @!p1 $0x0  }
0x14: {  	s2 =	sld [smem:$0x3F99];
	s0 =	simm.s32 @p1 $0x1  }
0x15: {  	[smem:$0x3FB6] =	sst s0;
	s0 =	simm.s32 @!p2 $0x0  }
0x16: {  	s3 =	sld [smem:$0x3FDB];
	s0 =	simm.s32 @p2 $0x1  }
0x17: {  	s4 =	simm.s32 $0x1BF5;
	[smem:$0x3FB8] =	sst s0  }
0x18: {  	s0 =	sld [smem:$0x3F9B];
	_ =	swait.ge [sflag:s4], $0x0  }
0x19: {  	s7 =	sld [smem:$0x3F9C]  }
0x1a: {  	s8 =	sadd.s32 $0xFFFFE003, lr  }
0x1b: {  	s9 =	sadd.s32 $0xFFFFFEF7, lr;
	s5 =	simm.s32 $0xFFFFFFFF;
	p2 =	slt.u32 s8, $0xFFFFF086  }
0x1c: {  	p1 =	slt.u32 s9, $0xF7A;
	s5 =	simm.s32 @!p2 $0x0  }
0x1d: {  	s5 =	simm.s32 @p1 $0x1;
	p0 =	seq.s32 s7, s2  }
0x1e: {  	s7 =	smul.u32 @!p0 $0xF7A, s2;
	p2 =	seq.s32 @!p0 s5, $0x0  }
0x1f: {  	s9 =	smul.u32 $0xF7A, s1;
	s8 =	simm.s32 @!p0 $0x1BF5;
	p2 =	por !p2, p0  }
0x20: {  	[sflag:s8] =	ssyncset.s32 @!p0 $0xFFFFF086;
	s6 =	sadd.s32 @!p0 s3, s7;
	s7 =	simm.s32 @!p0 $0x108  }
0x21: {  	s3 =	sadd.s32 s3, s9;
	s6 =	sadd.s32 @!p0 $0x88, s6;
	s7 =	simm.s32 @p2 $0x1082  }
0x22: {  	[simem:s7], [sflag:s8] =	dma.local @!p0 [hbm:s6], $0xF7A  }
0x23: {  	s9 =	sor.u32 $0xD0000000, s2;
	s6 =	simm.s32 $0x108;
	_ =	swait.ge @!p0 [sflag:s8], $0x0  }
0x24: {  	s3 =	sadd.s32 $0x88, s3;
	s6 =	simm.s32 @!p1 $0x1082;
	[sflag:s4] =	ssyncset.s32 $0xFFFFF086  }
0x25: {  	[simem:s6], [sflag:s4] =	dma.local [hbm:s3], $0xF7A  }
0x26: {  	[smem:$0x3F9C] =	sst s1;
	(tag) =	ssettag s2;
	_ =	strace s9  }
0x27: {  	s1 =	sld [smem:$0x3FAC]  }
0x28: {  	s2 =	sld [smem:$0x3FAD]  }
0x29: {  	s4 =	sld [smem:$0x3FAF]  }
0x2a: {  	p0 =	seq.s32 s5, $0x0;
	s5 =	sld [smem:$0x3FB0]  }
0x2b: {  	s6 =	sld [smem:$0x3FB1]  }
0x2c: {  	s7 =	sld [smem:$0x3FB2]  }
0x2d: {  	s3 =	simm.s32 $0x108;
	s8 =	sld [smem:$0x3FB3]  }
0x2e: {  	s3 =	simm.s32 @!p0 $0x1082;
	s9 =	sld [smem:$0x3FB4]  }
0x2f: {  	lr =	sadd.s32 s0, s3;
	s0 =	sld [smem:$0x3FAB]  }
0x30: {  	s3 =	sld [smem:$0x3FAE]  }
0x31: {  	[smem:$0x3FB7] =	sst s10  }
0x32: {  	s10 =	sld [smem:$0x3FB5];
	_ =	sdelay $0x3  }
0x33: {  	p0 =	seq.s32 s10, $0x1;
	s10 =	sld [smem:$0x3FB7];
	_ =	sdelay $0x3  }
0x34: {  	[smem:$0x3FB7] =	sst s10  }
0x35: {  	s10 =	sld [smem:$0x3FB6];
	_ =	sdelay $0x3  }
0x36: {  	p1 =	seq.s32 s10, $0x1;
	s10 =	sld [smem:$0x3FB7];
	_ =	sdelay $0x3  }
0x37: {  	[smem:$0x3FB7] =	sst s10  }
0x38: {  	s10 =	sld [smem:$0x3FB8]  }
0x39: {  	_ = 	snop;
	(pc) =	sbr.ind lr, $3  }
0x3a: {  	_ = 	snop  }
0x3b: {  	_ = 	snop  }
0x3c: {  	p2 =	seq.s32 s10, $0x1;
	s10 =	sld [smem:$0x3FB7]  }
0x3d: {  	_ =	shalt  }
0x3e: {  	_ =	shalt  }
0x3f: {  	_ =	shalt  }
0x40: {  	_ =	shalt  }
0x41: {  	_ =	shalt  }
0x42: {  	_ =	shalt  }
0x43: {  	_ =	shalt  }
0x44: {  	_ =	shalt  }
0x45: {  	_ =	shalt  }
0x46: {  	_ =	shalt  }
0x47: {  	_ =	shalt  }
0x48: {  	_ =	shalt  }
0x49: {  	_ =	shalt  }
0x4a: {  	_ =	shalt  }
0x4b: {  	_ =	shalt  }
0x4c: {  	_ =	shalt  }
0x4d: {  	_ =	shalt  }
0x4e: {  	_ =	shalt  }
0x4f: {  	_ =	shalt  }
0x50: {  	_ =	shalt  }
0x51: {  	_ =	shalt  }
0x52: {  	_ =	shalt  }
0x53: {  	_ =	shalt  }
0x54: {  	_ =	shalt  }
0x55: {  	_ =	shalt  }
0x56: {  	_ =	shalt  }
0x57: {  	_ =	shalt  }
0x58: {  	_ =	shalt  }
0x59: {  	_ =	shalt  }
0x5a: {  	_ =	shalt  }
0x5b: {  	_ =	shalt  }
0x5c: {  	_ =	shalt  }
0x5d: {  	_ =	shalt  }
0x5e: {  	_ =	shalt  }
0x5f: {  	_ =	shalt  }
0x60: {  	_ =	shalt  }
0x61: {  	_ =	shalt  }
0x62: {  	_ =	shalt  }
0x63: {  	_ =	shalt  }
0x64: {  	_ =	shalt  }
0x65: {  	_ =	shalt  }
0x66: {  	_ =	shalt  }
0x67: {  	_ =	shalt  }
0x68: {  	_ =	shalt  }
0x69: {  	_ =	shalt  }
0x6a: {  	_ =	shalt  }
0x6b: {  	_ =	shalt  }
0x6c: {  	_ =	shalt  }
0x6d: {  	_ =	shalt  }
0x6e: {  	_ =	shalt  }
0x6f: {  	_ =	shalt  }
0x70: {  	_ =	shalt  }
0x71: {  	_ =	shalt  }
0x72: {  	_ =	shalt  }
0x73: {  	_ =	shalt  }
0x74: {  	_ =	shalt  }
0x75: {  	_ =	shalt  }
0x76: {  	_ =	shalt  }
0x77: {  	_ =	shalt  }
0x78: {  	_ =	shalt  }
0x79: {  	_ =	shalt  }
0x7a: {  	_ =	shalt  }
0x7b: {  	_ =	shalt  }
0x7c: {  	_ =	shalt  }
0x7d: {  	_ =	shalt  }
0x7e: {  	_ =	shalt  }
0x7f: {  	_ =	shalt  }
0x80: {  	_ =	shalt  }
0x81: {  	_ =	shalt  }
0x82: {  	_ =	shalt  }
0x83: {  	_ =	shalt  }
0x84: {  	_ =	shalt  }
0x85: {  	_ =	shalt  }
0x86: {  	_ =	shalt  }
0x87: {  	_ =	shalt  }
.Lfunc_end0:
.L_simem_size_0:
called_computation.1_lowered:
.L_overlay_start_0:
0x88: {  	s2 =	sld [smem:$0x3FD9]  }
0x89: {  	s3 =	sld [smem:$0x3FFE];
	_ =	sdelay $0x1  }
0x8a: {  	s1 =	srdreg.scid  }
0x8b: {  	s0 =	sand.u32 $0x1, s1  }
0x8c: {  	s17 =	sshll.u32 s0, $0xA;
	s2 =	sadd.s32 s3, s2  }
0x8d: {  	s2 =	sadd.s32 s2, s17  }
0x8e: {  	[smem:$0x3FC3] =	sst s2  }
0x8f: {  	_ = 	snop  }
0x90: {  	s2 =	sld [smem:$0x3FC7]  }
0x91: {  	s18 =	sld [smem:$0x3FC5];
	(tm) =	ssettm $0x1  }
0x92: {  	s4 =	sld [smem:$0x3FFB];
	_ =	sdelay $0x3  }
0x93: {  	_ =	strace s4  }
0x94: {  	s4 =	sld [smem:$0x3FFC];
	_ =	sdelay $0x3  }
0x95: {  	_ =	strace s4  }
0x96: {  	s4 =	sld [smem:$0x3FFD];
	_ =	sdelay $0x3  }
0x97: {  	_ =	strace s4  }
0x98: {  	_ =	strace $0x8FFFFFFF  }
0x99: {  	s19 =	sld [smem:$0x3FDB];
	_ =	sdelay $0x1  }
0x9a: {  	s5 =	simm.s32 $_scs_section_size  }
0x9b: {  	s6 =	simm.s32 $_size__tile_overlayer_lowered;
	s7 =	simm.s32 $_tile_overlayer_lowered  }
0x9c: {  	s22 =	simm.s32 $0x1BFF;
	s21 =	sshll.u32 s7, $0x1;
	s4 =	sadd.s32 s5, s19  }
0x9d: {  	s8 =	simm.s32 $0x0;
	s20 =	sshll.u32 s6, $0x1;
	s6 =	sadd.s32 s21, s4  }
0x9e: {  	[timem:s8], [sflag:s22] =	dma.local [hbm:s6], s20  }
0x9f: {  	_ =	swait.ge [sflag:s22], s20  }
0xa0: {  	s5 =	ssub.s32 $0x0, s20;
	[sflag:s22] =	ssyncset.done $0x0  }
0xa1: {  	[sflag:s22] =	ssyncadd.s32 s5;
	_ =	sdelay $0x1  }
0xa2: {  	s23 =	simm.s32 $0x1B8B  }
0xa3: {  	_ =	swait.ge [sflag:s23], $0x1  }
0xa4: {  	[sflag:s23] =	ssyncset.done $0x0  }
0xa5: {  	s25 =	simm.s32 $0x1B8E;
	s24 =	sld [smem:$0x3FFE];
	[sflag:s23] =	ssyncadd.s32 $0xFFFFFFFF  }
0xa6: {  	s26 =	simm.s32 $execute0_lowered;
	[smem:$0x3FD2] =	sst s25  }
0xa7: {  	s6 =	sshll.u32 s26, $0x1;
	_ =	strace $0x80000046;
	[dreg:$0x1] =	wrdreg $0xFFFFFFFF  }
0xa8: {  	s28 =	simm.s32 $_size_execute0_lowered;
	s4 =	sadd.s32 s4, s6;
	[dreg:$0x0] =	wrdreg $0x0  }
0xa9: {  	s6 =	sshll.u32 s28, $0x1;
	[dreg:$0x2] =	wrdreg s4  }
0xaa: {  	[dreg:$0x3] =	wrdreg s6  }
0xab: {  	[dreg:$0x4] =	wrdreg $0xC0  }
0xac: {  	_ =	task [dreg:s8], $0x5FFFF  }
0xad: {  	[dreg:$0x1] =	wrdreg $0xFFFFFFFF  }
0xae: {  	[dreg:$0x0] =	wrdreg $0x60  }
0xaf: {  	[dreg:$0x2] =	wrdreg s2  }
0xb0: {  	[dreg:$0x3] =	wrdreg s18  }
0xb1: {  	[dreg:$0x4] =	wrdreg s24  }
0xb2: {  	[dreg:$0x5] =	wrdreg $0xA  }
0xb3: {  	_ =	task.clear_ibuf [dreg:s8], $0x6FFFF;
	_ =	strace $0x90000046  }
0xb4: {  	s29 =	simm.s32 $0xA;
	_ =	strace $0x80000048  }
0xb5: {  	_ =	swait.ge [sflag:s29], $0x1  }
0xb6: {  	[sflag:s29] =	ssyncadd.s32 $0xFFFFFFFF  }
0xb7: {  	_ =	strace $0x90000048  }
0xb8: {  	_ =	sfence  }
0xb9: {  	s30 =	sld [smem:$0x0];
	_ =	sdelay $0x2  }
0xba: {  	s31 =	sshll.u32 s1, $0xD;
	s1 =	sshrl.u32 s1, $0x2  }
0xbb: {  	s3 =	sand.u32 $0x4000, s31;
	s1 =	sadd.s32 s1, s30  }
0xbc: {  	s0 =	sor.u32 s3, s0;
	s1 =	sshll.u32 s1, $0x11  }
0xbd: {  	s0 =	sor.u32 s1, s0  }
0xbe: {  	s0 =	sadd.s32 $0x8F2B, s0  }
0xbf: {  	[sflag:s0] =	ssyncadd.remote.s32 $0x1  }
0xc0: {  	_ =	sfence.sel $0xFFFF  }
0xc1: {  	[dreg:$0x0] =	wrdreg $0xFFFFFFFF;
	(pc) =	sbr.abs _section_cstart, $3  }
0xc2: {  	[dreg:$0x1] =	wrdreg $0xFFFFFFFF  }
0xc3: {  	_ =	task.clear_ibuf [dreg:s8], $0x2FFFF;
	_ =	strace $0x9FFFFFFF  }
0xc4: {  	(tm) =	ssettm $0x7FFFFFFF  }
0xc5: {  	_ =	shalt  }
tec
execute0_lowered:
.L_overlay_start_1:
0x0: {  	(tag) =	ssettag $0x1  }
0x1: {  	s7 =	rddreg [dreg:$0x0]  }
0x2: {  	s2 =	rddreg [dreg:$0x1];
	s1 =	srdreg.scid  }
0x3: {  	s0 =	stileid.u32;
	s5 =	rddreg [dreg:$0x2];
	s3 =	simm.s32 $0x0  }
0x4: {  	s11 =	simm.s32 $0x1000;
	s12 =	simm.s32 $0x20000;
	s13 =	simm.s32 $0x4  }
0x5: {  	s14 =	simm.s32 $0x3000;
	s15 =	simm.s32 $0x400;
	s16 =	simm.s32 $0x7000  }
0x6: {  	s17 =	simm.s32 $0xC00;
	s18 =	simm.s32 $0x800;
	s19 =	simm.s32 $0xB000  }
0x7: {  	s20 =	simm.s32 $0xF000;
	s21 =	simm.s32 $0x2;
	s22 =	simm.s32 $0x80  }
0x8: {  	s23 =	simm.s32 $0x1;
	s4 =	sand.u32 $0x1, s1;
	s6 =	sshll.u32 s0, $0x1  }
0x9: {  	s24 =	simm.s32 $0x3;
	s25 =	simm.s32 $0x0;
	s6 =	sor.u32 s4, s6  }
0xa: {  	[smem:$0x7FF] =	sst s3;
	s8 =	ssub.s32 $0x2, s4;
	s4 =	smul.u32 $0x180000, s6  }
0xb: {  	s5 =	sadd.s32 $0xC00, s5;
	_ =	strace $0x80000047;
	s9 =	sshrl.u32 s8, $0x1  }
0xc: {  	s29 =	sshll.u32 s6, $0x9;
	s10 =	ssub.s32 s8, s9;
	s6 =	sadd.s32 $0xC0000, s4  }
0xd: {  	s7 =	sadd.s32 s7, s29;
	s30 =	sshrl.u32 s4, $0x3;
	s31 =	sshrl.u32 s6, $0x3  }
0xe: {  	s10 =	smax.u32 s10, $0x1;
	s8 =	sadd.s32 s5, s30;
	s9 =	sadd.s32 s5, s31  }
.LBB2_1:
0xf: {  	[tilespmem:s3], [sflag:$0x4] =	stream.strided.gather [hbm4b:s7+s11], $0x3000, s12, s11, $0x38;
	[tilespmem:$0x13000] =	vst v63  }
0x10: {  	_ =	swait.ge [sflag:s13], $0x3000  }
0x11: {  	[sflag:s13] =	ssyncset.done $0x0  }
0x12: {  	[sflag:s13] =	ssyncadd.s32 $0xFFFFD000  }
0x13: {  	[tilespmem:s14], [sflag:$0x1] =	stream.indirect.gather [hbm4b:s2+s22], $0x80, s3, s22, $0xb8;
	[tilespmem:$0x13000] =	vst v63  }
0x14: {  	_ = 	snop  }
0x15: {  	[tilespmem:s16], [sflag:$0x1] =	stream.indirect.gather [hbm4b:s2+s22], $0x80, s15, s22, $0xb8;
	[tilespmem:$0x13000] =	vst v63  }
0x16: {  	_ =	swait.ge [sflag:s23], $0x8000  }
0x17: {  	[sflag:s23] =	ssyncset.done $0x0  }
0x18: {  	[sflag:s23] =	ssyncadd.s32 $0xFFFF8000  }
0x19: {  	[hbm4b:s8+s22] =	stream.strided.scatter [tilespmem:s14], [sflag:$0x2], $0x8000, s17, s22, $0x38;
	[tilespmem:$0x13000] =	vst v63  }
0x1a: {  	_ = 	snop  }
0x1b: {  	[tilespmem:s19], [sflag:$0x1] =	stream.indirect.gather [hbm4b:s2+s22], $0x80, s18, s22, $0xb8;
	[tilespmem:$0x13000] =	vst v63  }
0x1c: {  	_ = 	snop  }
0x1d: {  	[tilespmem:s20], [sflag:$0x1] =	stream.indirect.gather [hbm4b:s2+s22], $0x80, s17, s22, $0xb8;
	[tilespmem:$0x13000] =	vst v63  }
0x1e: {  	_ =	swait.ge [sflag:s23], $0x8000  }
0x1f: {  	[sflag:s23] =	ssyncset.done $0x0  }
0x20: {  	[sflag:s23] =	ssyncadd.s32 $0xFFFF8000  }
0x21: {  	[hbm4b:s9+s22] =	stream.strided.scatter [tilespmem:s19], [sflag:$0x3], $0x8000, s17, s22, $0x38;
	[tilespmem:$0x13000] =	vst v63  }
0x22: {  	s26 =	simm.s32 $0x200;
	s28 =	simm.s32 $0x80;
	_ =	swait.ge [sflag:s21], $0x8000  }
0x23: {  	s29 =	sand.u32 $0x380, s22;
	s26 =	sand.u32 $0x3FFFF000, s26;
	[sflag:s21] =	ssyncset.done $0x0  }
0x24: {  	s28 =	sand.u32 $0xFFFFFC00, s28;
	s26 =	sor.u32 s29, s26;
	[sflag:s21] =	ssyncadd.s32 $0xFFFF8000  }
0x25: {  	[tilespmem:s14], [sflag:$0x1] =	stream.indirect.gather [hbm4b:s2+s22], $0x80, s26, s22, $0xb8;
	[tilespmem:$0x13000] =	vst v63  }
0x26: {  	s28 =	sor.u32 s28, s29;
	s29 =	sor.u32 $0x400, s26  }
0x27: {  	[tilespmem:s16], [sflag:$0x1] =	stream.indirect.gather [hbm4b:s2+s22], $0x80, s29, s22, $0xb8;
	[tilespmem:$0x13000] =	vst v63  }
0x28: {  	s29 =	sor.u32 s4, s28;
	_ =	swait.ge [sflag:s23], $0x8000  }
0x29: {  	s29 =	sshrl.u32 s29, $0x3;
	[sflag:s23] =	ssyncset.done $0x0  }
0x2a: {  	s29 =	sadd.s32 s5, s29;
	[sflag:s23] =	ssyncadd.s32 $0xFFFF8000  }
0x2b: {  	[hbm4b:s29+s22] =	stream.strided.scatter [tilespmem:s14], [sflag:$0x2], $0x8000, s17, s22, $0x38;
	[tilespmem:$0x13000] =	vst v63  }
0x2c: {  	_ =	swait.ge [sflag:s24], $0x8000  }
0x2d: {  	[sflag:s24] =	ssyncset.done $0x0  }
0x2e: {  	s29 =	sor.u32 $0x800, s26;
	[sflag:s24] =	ssyncadd.s32 $0xFFFF8000  }
0x2f: {  	[tilespmem:s19], [sflag:$0x1] =	stream.indirect.gather [hbm4b:s2+s22], $0x80, s29, s22, $0xb8;
	[tilespmem:$0x13000] =	vst v63  }
0x30: {  	s28 =	sor.u32 s6, s28;
	s26 =	sor.u32 $0xC00, s26  }
0x31: {  	[tilespmem:s20], [sflag:$0x1] =	stream.indirect.gather [hbm4b:s2+s22], $0x80, s26, s22, $0xb8;
	[tilespmem:$0x13000] =	vst v63  }
0x32: {  	s28 =	sshrl.u32 s28, $0x3;
	_ =	swait.ge [sflag:s23], $0x8000  }
0x33: {  	s29 =	sadd.s32 s5, s28;
	[sflag:s23] =	ssyncset.done $0x0  }
0x34: {  	s28 =	simm.s32 $0x100;
	s26 =	simm.s32 $0x2;
	[sflag:s23] =	ssyncadd.s32 $0xFFFF8000  }
.LBB2_2:
0x35: {  	[hbm4b:s29+s22] =	stream.strided.scatter [tilespmem:s19], [sflag:$0x3], $0x8000, s17, s22, $0x38;
	[tilespmem:$0x13000] =	vst v63  }
0x36: {  	s29 =	smov.u32 s26  }
0x37: {  	p0 =	sne.s32 s26, $0x13;
	s26 =	sadd.s32 $0x1, s26;
	_ =	swait.ge [sflag:s21], $0x8000  }
0x38: {  	s30 =	sshll.u32 s29, $0x9;
	s29 =	sshll.u32 s29, $0x7;
	[sflag:s21] =	ssyncset.done $0x0  }
0x39: {  	s31 =	sand.u32 $0x380, s28;
	s30 =	sand.u32 $0x3FFFF000, s30;
	s29 =	sand.u32 $0xFFFFFC00, s29  }
0x3a: {  	s30 =	sor.u32 s31, s30;
	s29 =	sor.u32 s29, s31;
	[sflag:s21] =	ssyncadd.s32 $0xFFFF8000  }
0x3b: {  	[tilespmem:s14], [sflag:$0x1] =	stream.indirect.gather [hbm4b:s2+s22], $0x80, s30, s22, $0xb8;
	[tilespmem:$0x13000] =	vst v63  }
0x3c: {  	s31 =	sor.u32 $0x400, s30;
	s1 =	sor.u32 s4, s29;
	s29 =	sor.u32 s6, s29  }
0x3d: {  	[tilespmem:s16], [sflag:$0x1] =	stream.indirect.gather [hbm4b:s2+s22], $0x80, s31, s22, $0xb8;
	[tilespmem:$0x13000] =	vst v63  }
0x3e: {  	s1 =	sshrl.u32 s1, $0x3;
	s29 =	sshrl.u32 s29, $0x3;
	_ =	swait.ge [sflag:s23], $0x8000  }
0x3f: {  	[sflag:s23] =	ssyncset.done $0x0  }
0x40: {  	s1 =	sadd.s32 s5, s1;
	[sflag:s23] =	ssyncadd.s32 $0xFFFF8000  }
0x41: {  	[hbm4b:s1+s22] =	stream.strided.scatter [tilespmem:s14], [sflag:$0x2], $0x8000, s17, s22, $0x38;
	[tilespmem:$0x13000] =	vst v63  }
0x42: {  	_ =	swait.ge [sflag:s24], $0x8000  }
0x43: {  	[sflag:s24] =	ssyncset.done $0x0  }
0x44: {  	s1 =	sor.u32 $0x800, s30;
	[sflag:s24] =	ssyncadd.s32 $0xFFFF8000  }
0x45: {  	[tilespmem:s19], [sflag:$0x1] =	stream.indirect.gather [hbm4b:s2+s22], $0x80, s1, s22, $0xb8;
	[tilespmem:$0x13000] =	vst v63  }
.Ltmp0:
0x46: {  	s1 =	sor.u32 $0xC00, s30;
	(pc) =	sbr.rel @p0 .LBB2_2-.Ltmp0, $4  }
0x47: {  	[tilespmem:s20], [sflag:$0x1] =	stream.indirect.gather [hbm4b:s2+s22], $0x80, s1, s22, $0xb8;
	[tilespmem:$0x13000] =	vst v63  }
0x48: {  	_ =	swait.ge [sflag:s23], $0x8000  }
0x49: {  	[sflag:s23] =	ssyncset.done $0x0  }
0x4a: {  	s28 =	sadd.s32 $0x80, s28;
	s29 =	sadd.s32 s5, s29;
	[sflag:s23] =	ssyncadd.s32 $0xFFFF8000  }
0x4b: {  	[hbm4b:s29+s22] =	stream.strided.scatter [tilespmem:s19], [sflag:$0x3], $0x8000, s17, s22, $0x38;
	[tilespmem:$0x13000] =	vst v63  }
0x4c: {  	s25 =	sadd.s32 $0x1, s25  }
0x4d: {  	_ =	swait.ge [sflag:s21], $0x8000;
	p0 =	sne.s32 s25, s10  }
.Ltmp1:
0x4e: {  	[sflag:s21] =	ssyncset.done $0x0;
	(pc) =	sbr.rel @p0 .LBB2_1-.Ltmp1, $4  }
0x4f: {  	[sflag:s21] =	ssyncadd.s32 $0xFFFF8000  }
0x50: {  	_ =	swait.ge [sflag:s24], $0x8000  }
0x51: {  	[sflag:s24] =	ssyncset.done $0x0  }
0x52: {  	[sflag:s24] =	ssyncadd.s32 $0xFFFF8000  }
0x53: {  	_ =	sfence.sel $0x180000  }
0x54: {  	[bflag:$0x0] =	sbarrier.arrive $0xFFFF  }
0x55: {  	_ =	strace $0x90000047  }
0x56: {  	[bflag:$0x2] =	sbarrier.arrive $0xFFFF  }
0x57: {  	p0 =	sne.s32 s0, $0x0;
	s0 =	rddreg [dreg:$0x3]  }
0x58: {  	s0 =	sadd.s32 @!p0 $0x100000, s0  }
0x59: {  	[sflag:s0] =	ssyncadd.tile.s32 @!p0 $0x1;
	_ =	shalt  }
.Lfunc_end2:
_tile_overlayer_lowered:
.L_overlay_start_2:
0x5a: {  	(tag) =	ssettag $0x2  }
0x5b: {  	s0 =	rddreg [dreg:$0x0];
	s2 =	stileid.u32  }
0x5c: {  	s1 =	rddreg [dreg:$0x1];
	p0 =	sne.s32 s2, $0x0  }
0x5d: {  	s3 =	rddreg [dreg:$0x2];
	[bflag:$0x3] =	sbarrier.arrive $0xFFFF;
	s2 =	simm.s32 @!p0 $0x1C04  }
0x5e: {  	[timem:s3], [sflag:s2] =	dma.local @!p0 [hbm:s0], s1  }
0x5f: {  	s0 =	simm.s32 @!p0 $0x4  }
0x60: {  	_ =	swait.ge @!p0 [sflag:s0], s1  }
0x61: {  	s1 =	ssub.s32 @!p0 $0x0, s1;
	[sflag:s0] =	ssyncset.done @!p0 $0x0  }
0x62: {  	[sflag:s0] =	ssyncadd.s32 @!p0 s1  }
0x63: {  	[bflag:$0x3] =	sbarrier.arrive $0xFFFF  }
0x64: {  	_ =	shalt  }

</sc_bundles>
